<compile_context>
chip_gen: v7x
topology: tpu7x:2x2x1
jax: 0.10.2.dev20260603
libtpu: 0.0.44.dev20260713+nightly
codegen_flags: <defaults>
</compile_context>

<pallas_src>
import functools

import jax
import jax.numpy as jnp
from jax import lax
from jax.experimental import pallas as pl
from jax.experimental.pallas import tpu as pltpu
from jax.experimental.pallas import tpu_sc as plsc

_N0, _N1, _N2 = 50000, 10000, 2000
_E0, _E1 = 160000, 32000

_NC, _NS, _L = 2, 16, 16
_NW = _NC * _NS
_CH = 128

_N1P = 10240
_N2P = 2048
_E0P = _NW * _CH * 40
_E1P = _NW * _CH * 8

_mesh = plsc.VectorSubcoreMesh(core_axis_name="c", subcore_axis_name="s")


def _chunks_of(n, step=_CH):
    out = []
    while n > 0:
        out.append(min(step, n))
        n -= out[-1]
    return out


def _fill_const(buf, value):
    def body(i, carry):
        for j in range(128 // _L):
            buf[i, pl.ds(j * _L, _L)] = jnp.full((_L,), value, jnp.float32)
        return carry
    lax.fori_loop(0, _CH, body, 0)


def _zero_stripe(sh, zbuf, sid, rows_per_sub):
    base = sid * rows_per_sub
    off = 0
    for sz in _chunks_of(rows_per_sub):
        pltpu.sync_copy(zbuf.at[pl.ds(0, sz)], sh.at[pl.ds(base + off, sz)])
        off += sz


def _writeback(sh, out, sid, cid, slab, wr_per_sub, slab_pad):
    base = sid * wr_per_sub
    out_r = (slab * _NC + cid) * slab_pad + base
    off = 0
    for sz in _chunks_of(wr_per_sub):
        pltpu.sync_copy(sh.at[pl.ds(base + off, sz)],
                        out.at[pl.ds(out_r + off, sz)])
        off += sz


def _pipelined_scatter(feats, src_idx, dst_idx, rowsA, rowsB, semA, semB,
                       acc_sh, trips, extra=None):
    def prologue():
        pltpu.async_copy(feats.at[src_idx(0)], rowsA, semA)

    if isinstance(trips, int):
        prologue()
    else:
        pl.when(trips > 0)(prologue)

    def pair(u, carry):
        t0 = 2 * u
        pltpu.async_copy(feats.at[src_idx(t0 + 1)], rowsB, semB)
        pltpu.make_async_copy(feats.at[src_idx(0)], rowsA, semA).wait()
        pltpu.sync_copy(rowsA, acc_sh.at[dst_idx(t0)], add=True)
        if extra is not None:
            extra(t0)

        @pl.when(u + 1 < trips)
        def _():
            pltpu.async_copy(feats.at[src_idx(t0 + 2)], rowsA, semA)

        pltpu.make_async_copy(feats.at[src_idx(0)], rowsB, semB).wait()
        pltpu.sync_copy(rowsB, acc_sh.at[dst_idx(t0 + 1)], add=True)
        if extra is not None:
            extra(t0 + 1)
        return carry
    lax.fori_loop(0, trips, pair, 0)


def _make_seg_sum(n_chunks, acc_rows, slab_write, slab_pad, passes, fused):
    rows_per_sub = acc_rows // _NS
    wr_per_sub = slab_write // _NS
    n_slabs = len(passes) + sum(1 for k, _ in passes if k == "accdeg")

    def body(feats, srcs, dsts, acc_out,
             idx_s, idx_d, rowsA, rowsB, ones, zrow, semA, semB,
             acc_sh, *maybe_deg):
        deg_sh = maybe_deg[0] if fused else None
        cid = lax.axis_index("c")
        sid = lax.axis_index("s")
        wid = sid * _NC + cid
        _fill_const(zrow, 0.0)
        _fill_const(ones, 1.0)
        pltpu.sync_copy(srcs.at[wid], idx_s)

        for i, (kind, li) in enumerate(passes):
            _zero_stripe(acc_sh, zrow, sid, rows_per_sub)
            if kind == "accdeg":
                _zero_stripe(deg_sh, zrow, sid, rows_per_sub)
            pltpu.sync_copy(dsts.at[li * _NW + wid], idx_d)
            plsc.subcore_barrier()

            s_at = lambda t: idx_s.at[t]
            d_at = lambda t: idx_d.at[t]
            if kind == "acc":
                _pipelined_scatter(feats, s_at, d_at, rowsA, rowsB,
                                   semA, semB, acc_sh, n_chunks // 2)
            elif kind == "accdeg":
                def extra(t):
                    pltpu.sync_copy(ones, deg_sh.at[idx_d.at[t]], add=True)
                _pipelined_scatter(feats, s_at, d_at, rowsA, rowsB,
                                   semA, semB, acc_sh, n_chunks // 2,
                                   extra=extra)
            else:
                def chunk_body(t, carry):
                    pltpu.sync_copy(ones, acc_sh.at[idx_d.at[t]], add=True)
                    return carry
                lax.fori_loop(0, n_chunks, chunk_body, 0)
            plsc.subcore_barrier()

            _writeback(acc_sh, acc_out, sid, cid, i, wr_per_sub, slab_pad)
            if kind == "accdeg":
                _writeback(deg_sh, acc_out, sid, cid, len(passes) + i,
                           wr_per_sub, slab_pad)
            if i + 1 < len(passes):
                plsc.subcore_barrier()

    scratch = [
        pltpu.VMEM((n_chunks, _CH), jnp.int32),
        pltpu.VMEM((n_chunks, _CH), jnp.int32),
        pltpu.VMEM((_CH, 128), jnp.float32),
        pltpu.VMEM((_CH, 128), jnp.float32),
        pltpu.VMEM((_CH, 128), jnp.float32),
        pltpu.VMEM((_CH, 128), jnp.float32),
        pltpu.SemaphoreType.DMA,
        pltpu.SemaphoreType.DMA,
        pltpu.VMEM_SHARED((acc_rows, 128), jnp.float32),
    ]
    if fused:
        scratch.append(pltpu.VMEM_SHARED((acc_rows, 128), jnp.float32))

    return functools.partial(
        pl.kernel,
        out_type=jax.ShapeDtypeStruct((n_slabs * _NC * slab_pad, 128),
                                      jnp.float32),
        mesh=_mesh,
        scratch_types=scratch,
    )(body)


def _make_l0_percore(n_chunks, acc_rows, slab_write, slab_pad):
    rows_per_sub = acc_rows // _NS
    wr_per_sub = slab_write // _NS

    def body(feats, srcs, dsts, acc_out,
             idx_s, idx_d, rowsA, rowsB, ones, zrow, semA, semB, acc_sh):
        cid = lax.axis_index("c")
        sid = lax.axis_index("s")
        _fill_const(zrow, 0.0)
        _fill_const(ones, 1.0)
        pltpu.sync_copy(srcs.at[sid], idx_s)
        pltpu.sync_copy(dsts.at[cid * _NS + sid], idx_d)

        _zero_stripe(acc_sh, zrow, sid, rows_per_sub)
        plsc.subcore_barrier()
        _pipelined_scatter(feats, lambda t: idx_s.at[t],
                           lambda t: idx_d.at[t],
                           rowsA, rowsB, semA, semB, acc_sh, n_chunks // 2)
        plsc.subcore_barrier()
        _writeback(acc_sh, acc_out, sid, cid, 0, wr_per_sub, slab_pad)

        _zero_stripe(acc_sh, zrow, sid, rows_per_sub)
        plsc.subcore_barrier()

        def dchunk(t, carry):
            pltpu.sync_copy(ones, acc_sh.at[idx_d.at[t]], add=True)
            return carry
        lax.fori_loop(0, n_chunks, dchunk, 0)
        plsc.subcore_barrier()
        _writeback(acc_sh, acc_out, sid, cid, 1, wr_per_sub, slab_pad)

    return functools.partial(
        pl.kernel,
        out_type=jax.ShapeDtypeStruct((4 * slab_pad, 128), jnp.float32),
        mesh=_mesh,
        scratch_types=[
            pltpu.VMEM((n_chunks, _CH), jnp.int32),
            pltpu.VMEM((n_chunks, _CH), jnp.int32),
            pltpu.VMEM((_CH, 128), jnp.float32),
            pltpu.VMEM((_CH, 128), jnp.float32),
            pltpu.VMEM((_CH, 128), jnp.float32),
            pltpu.VMEM((_CH, 128), jnp.float32),
            pltpu.SemaphoreType.DMA,
            pltpu.SemaphoreType.DMA,
            pltpu.VMEM_SHARED((acc_rows, 128), jnp.float32),
        ],
    )(body)


def _dense1(x_dst, slabs, n_pass, acc_off, deg_off, slab_pad,
            w_self, w_neigh, b, relu):
    r, d = x_dst.shape
    h = w_self.shape[1]
    br = 1024
    rows_per_pass = r // n_pass
    bp = rows_per_pass // br
    sb = slab_pad // br

    def pspec(base):
        return pl.BlockSpec(
            (br, d), lambda i: ((base + (i // bp)) * sb + (i % bp), 0))

    def body(xd, pr, dr, ws, wn, bb, out):
        deg_b = jnp.maximum(dr[...], 1.0)[:, 0:1]
        hn = pr[...] / deg_b
        acc_b = (jnp.dot(xd[...], ws[...], preferred_element_type=jnp.float32)
                 + jnp.dot(hn, wn[...], preferred_element_type=jnp.float32)
                 + bb[...])
        out[...] = jnp.maximum(acc_b, 0.0) if relu else acc_b

    return pl.pallas_call(
        body,
        grid=(r // br,),
        in_specs=[
            pl.BlockSpec((br, d), lambda i: (i, 0)),
            pspec(acc_off), pspec(deg_off),
            pl.BlockSpec((d, h), lambda i: (0, 0)),
            pl.BlockSpec((d, h), lambda i: (0, 0)),
            pl.BlockSpec((1, h), lambda i: (0, 0)),
        ],
        out_specs=pl.BlockSpec((br, h), lambda i: (i, 0)),
        out_shape=jax.ShapeDtypeStruct((r, h), jnp.float32),
    )(x_dst, slabs, slabs, w_self, w_neigh, b.reshape(1, h))


def _dense(x_dst, slabs, n_pass, acc_off, deg_off, slab_pad,
           w_self, w_neigh, b, relu):
    r, d = x_dst.shape
    h = w_self.shape[1]
    br = 1024
    rows_per_pass = r // n_pass
    bp = rows_per_pass // br
    sb = slab_pad // br

    def pspec(base, c):
        return pl.BlockSpec(
            (br, d),
            lambda i: (((base + (i // bp)) * _NC + c) * sb + (i % bp), 0))

    def body(xd, p0r, p1r, d0r, d1r, ws, wn, bb, out):
        deg_b = jnp.maximum(d0r[...] + d1r[...], 1.0)[:, 0:1]
        hn = (p0r[...] + p1r[...]) / deg_b
        acc_b = (jnp.dot(xd[...], ws[...], preferred_element_type=jnp.float32)
                 + jnp.dot(hn, wn[...], preferred_element_type=jnp.float32)
                 + bb[...])
        out[...] = jnp.maximum(acc_b, 0.0) if relu else acc_b

    return pl.pallas_call(
        body,
        grid=(r // br,),
        in_specs=[
            pl.BlockSpec((br, d), lambda i: (i, 0)),
            pspec(acc_off, 0), pspec(acc_off, 1),
            pspec(deg_off, 0), pspec(deg_off, 1),
            pl.BlockSpec((d, h), lambda i: (0, 0)),
            pl.BlockSpec((d, h), lambda i: (0, 0)),
            pl.BlockSpec((1, h), lambda i: (0, 0)),
        ],
        out_specs=pl.BlockSpec((br, h), lambda i: (i, 0)),
        out_shape=jax.ShapeDtypeStruct((r, h), jnp.float32),
    )(x_dst, slabs, slabs, slabs, slabs, w_self, w_neigh, b.reshape(1, h))


def _prep_edges(src, dst, e_pad, n_chunks, dst_pad_val, ranges, garbage):
    e = src.shape[0]
    srcp = jnp.concatenate([src, jnp.zeros((e_pad - e,), jnp.int32)])
    dstp = jnp.concatenate(
        [dst, jnp.full((e_pad - e,), dst_pad_val, jnp.int32)])
    lists = []
    for lo, hi in ranges:
        local = dstp - lo
        lists.append(jnp.where((dstp >= lo) & (dstp < hi), local, garbage))
    dsts = jnp.stack(lists).reshape(len(ranges) * _NW, n_chunks, _CH)
    return srcp.reshape(_NW, n_chunks, _CH), dsts


def kernel(x, src0, dst0, src1, dst1,
           W0_self, W0_neigh, b0, W1_self, W1_neigh, b1):
    srcp = jnp.concatenate(
        [src0, jnp.zeros((_E0P - _E0,), jnp.int32)]).reshape(_NS, 80, _CH)
    dstp = jnp.concatenate(
        [dst0, jnp.full((_E0P - _E0,), _N1, jnp.int32)])
    eidx = jnp.arange(_E0P, dtype=jnp.int32)
    garb = 5120 + (eidx // (80 * _CH)) * 32 + (eidx % 32)
    dlists = []
    for lo, hi in [(0, 5120), (5120, 10240)]:
        dlists.append(jnp.where((dstp >= lo) & (dstp < hi), dstp - lo, garb)
                      .reshape(_NS, 80, _CH))
    d0s = jnp.concatenate(dlists, axis=0)
    slabs0 = _make_l0_percore(80, 5632, 5248, 6144)(x, srcp, d0s)
    h = _dense1(x[:_N1P], slabs0, 2, 0, 2, 6144, W0_self, W0_neigh, b0,
                relu=True)

    s1, d1 = _prep_edges(src1, dst1, _E1P, 8, _N2, [(0, 2048)], 2048)
    slabs1 = _make_seg_sum(8, 2176, 2048, 2048,
                           [("accdeg", 0)], True)(h, s1, d1)
    out = _dense(h[:_N2P], slabs1, 1, 0, 1, 2048, W1_self, W1_neigh, b1,
                 relu=False)
    return out[:_N2]

# --- scband reference (transcript-rebuilt; emitter-appended) ---
"""Pipeline reference for scband-graph-sageneighbor-28707561407282 (READ-ONLY COPY).

The authoritative reference and input builder live on the scoring server;
editing this copy changes nothing except your own understanding.
"""

import jax, jax.numpy as jnp
import numpy as np

N0, N1, N2 = 50000, 10000, 2000
E0, E1 = 160000, 32000
D_IN, D_H, D_OUT = 128, 128, 64


def setup_inputs(seed: int = 0) -> dict:
    key = jax.random.key(seed)
    ks = jax.random.split(key, 12)
    x = jax.random.normal(ks[0], (N0, D_IN), dtype=jnp.float32)
    # MFG layer 0: dst nodes are the first N1 src nodes (DGL block convention)
    src0 = jax.random.randint(ks[1], (E0,), 0, N0, dtype=jnp.int32)
    dst0 = jax.random.randint(ks[2], (E0,), 0, N1, dtype=jnp.int32)
    # MFG layer 1: dst nodes are the first N2 of layer-0 output nodes
    src1 = jax.random.randint(ks[3], (E1,), 0, N1, dtype=jnp.int32)
    dst1 = jax.random.randint(ks[4], (E1,), 0, N2, dtype=jnp.int32)
    # SAGEConv 'mean' params (DGL: fc_self bias=False, fc_neigh bias=False, shared bias)
    s0 = 1.0 / np.sqrt(D_IN)
    s1 = 1.0 / np.sqrt(D_H)
    W0_self = jax.random.uniform(ks[5], (D_IN, D_H), jnp.float32, -s0, s0)
    W0_neigh = jax.random.uniform(ks[6], (D_IN, D_H), jnp.float32, -s0, s0)
    b0 = jnp.zeros((D_H,), dtype=jnp.float32)
    W1_self = jax.random.uniform(ks[7], (D_H, D_OUT), jnp.float32, -s1, s1)
    W1_neigh = jax.random.uniform(ks[8], (D_H, D_OUT), jnp.float32, -s1, s1)
    b1 = jnp.zeros((D_OUT,), dtype=jnp.float32)
    return {"x": x, "src0": src0, "dst0": dst0, "src1": src1, "dst1": dst1,
            "W0_self": W0_self, "W0_neigh": W0_neigh, "b0": b0,
            "W1_self": W1_self, "W1_neigh": W1_neigh, "b1": b1}


def _sage_conv(h_src, h_dst, src, dst, num_dst, W_self, W_neigh, b):
    # mean aggregator: gather src feats along edges, segment-mean into dst
    msg = jnp.take(h_src, src, axis=0)
    summed = jax.ops.segment_sum(msg, dst, num_segments=num_dst)
    deg = jax.ops.segment_sum(jnp.ones((src.shape[0],), dtype=h_src.dtype), dst, num_segments=num_dst)
    h_neigh = summed / jnp.maximum(deg, 1.0)[:, None]
    return h_dst @ W_self + h_neigh @ W_neigh + b


def reference(x, src0, dst0, src1, dst1, W0_self, W0_neigh, b0, W1_self, W1_neigh, b1):
    # layer 0: h_dst = h[:num_dst_nodes]
    h = _sage_conv(x, x[:N1], src0, dst0, N1, W0_self, W0_neigh, b0)
    h = jax.nn.relu(h)  # dropout p=0.0 -> identity
    # layer 1 (output layer, no activation)
    out = _sage_conv(h, h[:N2], src1, dst1, N2, W1_self, W1_neigh, b1)
    return out

if __name__ == "__main__":
    import jax
    _d = setup_inputs()
    print(jax.jit(kernel)(*tuple(_d.values())))

</pallas_src>

<mosaic_0001>
#map = affine_map<(d0, d1) -> (0, 0)>
#map1 = affine_map<(d0, d1) -> (0, 0, 0)>
module attributes {stable_mosaic.version = 14 : i64} {
  func.func @body(%arg0: i32, %arg1: i32, %arg2: memref<50000x128xf32, #tpu.memory_space<hbm>>, %arg3: memref<16x80x128xi32, #tpu.memory_space<hbm>>, %arg4: memref<32x80x128xi32, #tpu.memory_space<hbm>>, %arg5: memref<24576x128xf32, #tpu.memory_space<hbm>>, %arg6: memref<80x128xi32, #tpu.memory_space<vmem>>, %arg7: memref<80x128xi32, #tpu.memory_space<vmem>>, %arg8: memref<128x128xf32, #tpu.memory_space<vmem>>, %arg9: memref<128x128xf32, #tpu.memory_space<vmem>>, %arg10: memref<128x128xf32, #tpu.memory_space<vmem>>, %arg11: memref<128x128xf32, #tpu.memory_space<vmem>>, %arg12: memref<!tpu.dma_semaphore, #tpu.memory_space<semaphore_mem>>, %arg13: memref<!tpu.dma_semaphore, #tpu.memory_space<semaphore_mem>>, %arg14: memref<5632x128xf32, #tpu.memory_space<vmem_shared>>) attributes {dimension_semantics = [#tpu.dimension_semantics<core_parallel>, #tpu.dimension_semantics<subcore_parallel>], iteration_bounds = array<i64: 2, 16>, scalar_prefetch = 0 : i64, scratch_operands = 9 : i64, tpu.core_type = #tpu.core_type<sc_vector_subcore>, window_params = [{transform_indices = #map}, {transform_indices = #map1}, {transform_indices = #map1}, {transform_indices = #map}]} {
    %scan3A = arith.constant 0 : i32
    %scan3A_0 = arith.constant 0 : i32
    %scan3A_1 = arith.constant 128 : i32
    %scan3A_2 = arith.addi %scan3A_0, %scan3A_1 : i32
    %scan3A_3 = arith.constant 1 : i32
    scf.for %scan3A_87 = %scan3A_0 to %scan3A_2 step %scan3A_3  : i32 {
      %broadcast_in_dim3A = arith.constant 0.000000e+00 : f32
      %broadcast_in_dim3A_88 = vector.broadcast %broadcast_in_dim3A : f32 to vector<16xf32>
      %swap3A = arith.index_cast %scan3A_87 : i32 to index
      %swap3A_89 = arith.constant 0 : index
      %swap3A_90 = tpu.vector_load %arg11[%swap3A, %swap3A_89] {strides = array<i32>} : memref<128x128xf32, #tpu.memory_space<vmem>>, vector<1x16xf32>,
      %swap3A_91 = vector.shape_cast %swap3A_90 : vector<1x16xf32> to vector<16xf32>
      %swap3A_92 = vector.shape_cast %broadcast_in_dim3A_88 : vector<16xf32> to vector<1x16xf32>
      tpu.vector_store %arg11[%swap3A, %swap3A_89], %swap3A_92 {strides = array<i32>} : memref<128x128xf32, #tpu.memory_space<vmem>>, vector<1x16xf32>,
      %broadcast_in_dim3A_93 = arith.constant 0.000000e+00 : f32
      %broadcast_in_dim3A_94 = vector.broadcast %broadcast_in_dim3A_93 : f32 to vector<16xf32>
      %swap3A_95 = arith.index_cast %scan3A_87 : i32 to index
      %swap3A_96 = arith.constant 16 : index
      %swap3A_97 = tpu.vector_load %arg11[%swap3A_95, %swap3A_96] {strides = array<i32>} : memref<128x128xf32, #tpu.memory_space<vmem>>, vector<1x16xf32>,
      %swap3A_98 = vector.shape_cast %swap3A_97 : vector<1x16xf32> to vector<16xf32>
      %swap3A_99 = vector.shape_cast %broadcast_in_dim3A_94 : vector<16xf32> to vector<1x16xf32>
      tpu.vector_store %arg11[%swap3A_95, %swap3A_96], %swap3A_99 {strides = array<i32>} : memref<128x128xf32, #tpu.memory_space<vmem>>, vector<1x16xf32>,
      %broadcast_in_dim3A_100 = arith.constant 0.000000e+00 : f32
      %broadcast_in_dim3A_101 = vector.broadcast %broadcast_in_dim3A_100 : f32 to vector<16xf32>
      %swap3A_102 = arith.index_cast %scan3A_87 : i32 to index
      %swap3A_103 = arith.constant 32 : index
      %swap3A_104 = tpu.vector_load %arg11[%swap3A_102, %swap3A_103] {strides = array<i32>} : memref<128x128xf32, #tpu.memory_space<vmem>>, vector<1x16xf32>,
      %swap3A_105 = vector.shape_cast %swap3A_104 : vector<1x16xf32> to vector<16xf32>
      %swap3A_106 = vector.shape_cast %broadcast_in_dim3A_101 : vector<16xf32> to vector<1x16xf32>
      tpu.vector_store %arg11[%swap3A_102, %swap3A_103], %swap3A_106 {strides = array<i32>} : memref<128x128xf32, #tpu.memory_space<vmem>>, vector<1x16xf32>,
      %broadcast_in_dim3A_107 = arith.constant 0.000000e+00 : f32
      %broadcast_in_dim3A_108 = vector.broadcast %broadcast_in_dim3A_107 : f32 to vector<16xf32>
      %swap3A_109 = arith.index_cast %scan3A_87 : i32 to index
      %swap3A_110 = arith.constant 48 : index
      %swap3A_111 = tpu.vector_load %arg11[%swap3A_109, %swap3A_110] {strides = array<i32>} : memref<128x128xf32, #tpu.memory_space<vmem>>, vector<1x16xf32>,
      %swap3A_112 = vector.shape_cast %swap3A_111 : vector<1x16xf32> to vector<16xf32>
      %swap3A_113 = vector.shape_cast %broadcast_in_dim3A_108 : vector<16xf32> to vector<1x16xf32>
      tpu.vector_store %arg11[%swap3A_109, %swap3A_110], %swap3A_113 {strides = array<i32>} : memref<128x128xf32, #tpu.memory_space<vmem>>, vector<1x16xf32>,
      %broadcast_in_dim3A_114 = arith.constant 0.000000e+00 : f32
      %broadcast_in_dim3A_115 = vector.broadcast %broadcast_in_dim3A_114 : f32 to vector<16xf32>
      %swap3A_116 = arith.index_cast %scan3A_87 : i32 to index
      %swap3A_117 = arith.constant 64 : index
      %swap3A_118 = tpu.vector_load %arg11[%swap3A_116, %swap3A_117] {strides = array<i32>} : memref<128x128xf32, #tpu.memory_space<vmem>>, vector<1x16xf32>,
      %swap3A_119 = vector.shape_cast %swap3A_118 : vector<1x16xf32> to vector<16xf32>
      %swap3A_120 = vector.shape_cast %broadcast_in_dim3A_115 : vector<16xf32> to vector<1x16xf32>
      tpu.vector_store %arg11[%swap3A_116, %swap3A_117], %swap3A_120 {strides = array<i32>} : memref<128x128xf32, #tpu.memory_space<vmem>>, vector<1x16xf32>,
      %broadcast_in_dim3A_121 = arith.constant 0.000000e+00 : f32
      %broadcast_in_dim3A_122 = vector.broadcast %broadcast_in_dim3A_121 : f32 to vector<16xf32>
      %swap3A_123 = arith.index_cast %scan3A_87 : i32 to index
      %swap3A_124 = arith.constant 80 : index
      %swap3A_125 = tpu.vector_load %arg11[%swap3A_123, %swap3A_124] {strides = array<i32>} : memref<128x128xf32, #tpu.memory_space<vmem>>, vector<1x16xf32>,
      %swap3A_126 = vector.shape_cast %swap3A_125 : vector<1x16xf32> to vector<16xf32>
      %swap3A_127 = vector.shape_cast %broadcast_in_dim3A_122 : vector<16xf32> to vector<1x16xf32>
      tpu.vector_store %arg11[%swap3A_123, %swap3A_124], %swap3A_127 {strides = array<i32>} : memref<128x128xf32, #tpu.memory_space<vmem>>, vector<1x16xf32>,
      %broadcast_in_dim3A_128 = arith.constant 0.000000e+00 : f32
      %broadcast_in_dim3A_129 = vector.broadcast %broadcast_in_dim3A_128 : f32 to vector<16xf32>
      %swap3A_130 = arith.index_cast %scan3A_87 : i32 to index
      %swap3A_131 = arith.constant 96 : index
      %swap3A_132 = tpu.vector_load %arg11[%swap3A_130, %swap3A_131] {strides = array<i32>} : memref<128x128xf32, #tpu.memory_space<vmem>>, vector<1x16xf32>,
      %swap3A_133 = vector.shape_cast %swap3A_132 : vector<1x16xf32> to vector<16xf32>
      %swap3A_134 = vector.shape_cast %broadcast_in_dim3A_129 : vector<16xf32> to vector<1x16xf32>
      tpu.vector_store %arg11[%swap3A_130, %swap3A_131], %swap3A_134 {strides = array<i32>} : memref<128x128xf32, #tpu.memory_space<vmem>>, vector<1x16xf32>,
      %broadcast_in_dim3A_135 = arith.constant 0.000000e+00 : f32
      %broadcast_in_dim3A_136 = vector.broadcast %broadcast_in_dim3A_135 : f32 to vector<16xf32>
      %swap3A_137 = arith.index_cast %scan3A_87 : i32 to index
      %swap3A_138 = arith.constant 112 : index
      %swap3A_139 = tpu.vector_load %arg11[%swap3A_137, %swap3A_138] {strides = array<i32>} : memref<128x128xf32, #tpu.memory_space<vmem>>, vector<1x16xf32>,
      %swap3A_140 = vector.shape_cast %swap3A_139 : vector<1x16xf32> to vector<16xf32>
      %swap3A_141 = vector.shape_cast %broadcast_in_dim3A_136 : vector<16xf32> to vector<1x16xf32>
      tpu.vector_store %arg11[%swap3A_137, %swap3A_138], %swap3A_141 {strides = array<i32>} : memref<128x128xf32, #tpu.memory_space<vmem>>, vector<1x16xf32>,
    }
    %scan3A_4 = arith.constant 128 : i32
    %scan3A_5 = arith.constant 0 : i32
    %scan3A_6 = arith.constant 0 : i32
    %scan3A_7 = arith.constant 128 : i32
    %scan3A_8 = arith.addi %scan3A_6, %scan3A_7 : i32
    %scan3A_9 = arith.constant 1 : i32
    scf.for %scan3A_87 = %scan3A_6 to %scan3A_8 step %scan3A_9  : i32 {
      %broadcast_in_dim3A = arith.constant 1.000000e+00 : f32
      %broadcast_in_dim3A_88 = vector.broadcast %broadcast_in_dim3A : f32 to vector<16xf32>
      %swap3A = arith.index_cast %scan3A_87 : i32 to index
      %swap3A_89 = arith.constant 0 : index
      %swap3A_90 = tpu.vector_load %arg10[%swap3A, %swap3A_89] {strides = array<i32>} : memref<128x128xf32, #tpu.memory_space<vmem>>, vector<1x16xf32>,
      %swap3A_91 = vector.shape_cast %swap3A_90 : vector<1x16xf32> to vector<16xf32>
      %swap3A_92 = vector.shape_cast %broadcast_in_dim3A_88 : vector<16xf32> to vector<1x16xf32>
      tpu.vector_store %arg10[%swap3A, %swap3A_89], %swap3A_92 {strides = array<i32>} : memref<128x128xf32, #tpu.memory_space<vmem>>, vector<1x16xf32>,
      %broadcast_in_dim3A_93 = arith.constant 1.000000e+00 : f32
      %broadcast_in_dim3A_94 = vector.broadcast %broadcast_in_dim3A_93 : f32 to vector<16xf32>
      %swap3A_95 = arith.index_cast %scan3A_87 : i32 to index
      %swap3A_96 = arith.constant 16 : index
      %swap3A_97 = tpu.vector_load %arg10[%swap3A_95, %swap3A_96] {strides = array<i32>} : memref<128x128xf32, #tpu.memory_space<vmem>>, vector<1x16xf32>,
      %swap3A_98 = vector.shape_cast %swap3A_97 : vector<1x16xf32> to vector<16xf32>
      %swap3A_99 = vector.shape_cast %broadcast_in_dim3A_94 : vector<16xf32> to vector<1x16xf32>
      tpu.vector_store %arg10[%swap3A_95, %swap3A_96], %swap3A_99 {strides = array<i32>} : memref<128x128xf32, #tpu.memory_space<vmem>>, vector<1x16xf32>,
      %broadcast_in_dim3A_100 = arith.constant 1.000000e+00 : f32
      %broadcast_in_dim3A_101 = vector.broadcast %broadcast_in_dim3A_100 : f32 to vector<16xf32>
      %swap3A_102 = arith.index_cast %scan3A_87 : i32 to index
      %swap3A_103 = arith.constant 32 : index
      %swap3A_104 = tpu.vector_load %arg10[%swap3A_102, %swap3A_103] {strides = array<i32>} : memref<128x128xf32, #tpu.memory_space<vmem>>, vector<1x16xf32>,
      %swap3A_105 = vector.shape_cast %swap3A_104 : vector<1x16xf32> to vector<16xf32>
      %swap3A_106 = vector.shape_cast %broadcast_in_dim3A_101 : vector<16xf32> to vector<1x16xf32>
      tpu.vector_store %arg10[%swap3A_102, %swap3A_103], %swap3A_106 {strides = array<i32>} : memref<128x128xf32, #tpu.memory_space<vmem>>, vector<1x16xf32>,
      %broadcast_in_dim3A_107 = arith.constant 1.000000e+00 : f32
      %broadcast_in_dim3A_108 = vector.broadcast %broadcast_in_dim3A_107 : f32 to vector<16xf32>
      %swap3A_109 = arith.index_cast %scan3A_87 : i32 to index
      %swap3A_110 = arith.constant 48 : index
      %swap3A_111 = tpu.vector_load %arg10[%swap3A_109, %swap3A_110] {strides = array<i32>} : memref<128x128xf32, #tpu.memory_space<vmem>>, vector<1x16xf32>,
      %swap3A_112 = vector.shape_cast %swap3A_111 : vector<1x16xf32> to vector<16xf32>
      %swap3A_113 = vector.shape_cast %broadcast_in_dim3A_108 : vector<16xf32> to vector<1x16xf32>
      tpu.vector_store %arg10[%swap3A_109, %swap3A_110], %swap3A_113 {strides = array<i32>} : memref<128x128xf32, #tpu.memory_space<vmem>>, vector<1x16xf32>,
      %broadcast_in_dim3A_114 = arith.constant 1.000000e+00 : f32
      %broadcast_in_dim3A_115 = vector.broadcast %broadcast_in_dim3A_114 : f32 to vector<16xf32>
      %swap3A_116 = arith.index_cast %scan3A_87 : i32 to index
      %swap3A_117 = arith.constant 64 : index
      %swap3A_118 = tpu.vector_load %arg10[%swap3A_116, %swap3A_117] {strides = array<i32>} : memref<128x128xf32, #tpu.memory_space<vmem>>, vector<1x16xf32>,
      %swap3A_119 = vector.shape_cast %swap3A_118 : vector<1x16xf32> to vector<16xf32>
      %swap3A_120 = vector.shape_cast %broadcast_in_dim3A_115 : vector<16xf32> to vector<1x16xf32>
      tpu.vector_store %arg10[%swap3A_116, %swap3A_117], %swap3A_120 {strides = array<i32>} : memref<128x128xf32, #tpu.memory_space<vmem>>, vector<1x16xf32>,
      %broadcast_in_dim3A_121 = arith.constant 1.000000e+00 : f32
      %broadcast_in_dim3A_122 = vector.broadcast %broadcast_in_dim3A_121 : f32 to vector<16xf32>
      %swap3A_123 = arith.index_cast %scan3A_87 : i32 to index
      %swap3A_124 = arith.constant 80 : index
      %swap3A_125 = tpu.vector_load %arg10[%swap3A_123, %swap3A_124] {strides = array<i32>} : memref<128x128xf32, #tpu.memory_space<vmem>>, vector<1x16xf32>,
      %swap3A_126 = vector.shape_cast %swap3A_125 : vector<1x16xf32> to vector<16xf32>
      %swap3A_127 = vector.shape_cast %broadcast_in_dim3A_122 : vector<16xf32> to vector<1x16xf32>
      tpu.vector_store %arg10[%swap3A_123, %swap3A_124], %swap3A_127 {strides = array<i32>} : memref<128x128xf32, #tpu.memory_space<vmem>>, vector<1x16xf32>,
      %broadcast_in_dim3A_128 = arith.constant 1.000000e+00 : f32
      %broadcast_in_dim3A_129 = vector.broadcast %broadcast_in_dim3A_128 : f32 to vector<16xf32>
      %swap3A_130 = arith.index_cast %scan3A_87 : i32 to index
      %swap3A_131 = arith.constant 96 : index
      %swap3A_132 = tpu.vector_load %arg10[%swap3A_130, %swap3A_131] {strides = array<i32>} : memref<128x128xf32, #tpu.memory_space<vmem>>, vector<1x16xf32>,
      %swap3A_133 = vector.shape_cast %swap3A_132 : vector<1x16xf32> to vector<16xf32>
      %swap3A_134 = vector.shape_cast %broadcast_in_dim3A_129 : vector<16xf32> to vector<1x16xf32>
      tpu.vector_store %arg10[%swap3A_130, %swap3A_131], %swap3A_134 {strides = array<i32>} : memref<128x128xf32, #tpu.memory_space<vmem>>, vector<1x16xf32>,
      %broadcast_in_dim3A_135 = arith.constant 1.000000e+00 : f32
      %broadcast_in_dim3A_136 = vector.broadcast %broadcast_in_dim3A_135 : f32 to vector<16xf32>
      %swap3A_137 = arith.index_cast %scan3A_87 : i32 to index
      %swap3A_138 = arith.constant 112 : index
      %swap3A_139 = tpu.vector_load %arg10[%swap3A_137, %swap3A_138] {strides = array<i32>} : memref<128x128xf32, #tpu.memory_space<vmem>>, vector<1x16xf32>,
      %swap3A_140 = vector.shape_cast %swap3A_139 : vector<1x16xf32> to vector<16xf32>
      %swap3A_141 = vector.shape_cast %broadcast_in_dim3A_136 : vector<16xf32> to vector<1x16xf32>
      tpu.vector_store %arg10[%swap3A_137, %swap3A_138], %swap3A_141 {strides = array<i32>} : memref<128x128xf32, #tpu.memory_space<vmem>>, vector<1x16xf32>,
    }
    %scan3A_10 = arith.constant 128 : i32
    "tpu.region"() ({
      %run_scoped3A = tpu.sem_alloc : memref<!tpu.dma_semaphore, #tpu.memory_space<semaphore_mem>>
      %dma_start3A_87 = arith.constant 0 : i32
      %dma_start3A_88 = arith.constant 0 : i32
      %dma_start3A_89 = tpu.memref_slice %arg3[%arg1, %dma_start3A_87, %dma_start3A_88] : memref<16x80x128xi32, #tpu.memory_space<hbm>> -> memref<1x80x128xi32, #tpu.memory_space<hbm>>
      %dma_start3A_90 = tpu.memref_squeeze %dma_start3A_89 : memref<1x80x128xi32, #tpu.memory_space<hbm>> -> memref<80x128xi32, #tpu.memory_space<hbm>>
      %dma_start3A_91 = arith.constant 0 : i32
      %dma_start3A_92 = arith.constant 0 : i32
      %dma_start3A_93 = tpu.memref_slice %arg3[%arg1, %dma_start3A_91, %dma_start3A_92] : memref<16x80x128xi32, #tpu.memory_space<hbm>> -> memref<1x80x128xi32, #tpu.memory_space<hbm>>
      %dma_start3A_94 = tpu.memref_squeeze %dma_start3A_93 : memref<1x80x128xi32, #tpu.memory_space<hbm>> -> memref<80x128xi32, #tpu.memory_space<hbm>>
      tpu.enqueue_dma source(%dma_start3A_94 : memref<80x128xi32, #tpu.memory_space<hbm>>) target(%arg6 : memref<80x128xi32, #tpu.memory_space<vmem>>) target_semaphore(%run_scoped3A : memref<!tpu.dma_semaphore, #tpu.memory_space<semaphore_mem>>)
      %dma_wait3A = arith.constant 0 : i32
      %dma_wait3A_95 = arith.constant 0 : i32
      %dma_wait3A_96 = tpu.memref_slice %arg3[%arg1, %dma_wait3A, %dma_wait3A_95] : memref<16x80x128xi32, #tpu.memory_space<hbm>> -> memref<1x80x128xi32, #tpu.memory_space<hbm>>
      %dma_wait3A_97 = tpu.memref_squeeze %dma_wait3A_96 : memref<1x80x128xi32, #tpu.memory_space<hbm>> -> memref<80x128xi32, #tpu.memory_space<hbm>>
      %dma_wait3A_98 = arith.constant 0 : i32
      %dma_wait3A_99 = arith.constant 0 : i32
      %dma_wait3A_100 = tpu.memref_slice %arg3[%arg1, %dma_wait3A_98, %dma_wait3A_99] : memref<16x80x128xi32, #tpu.memory_space<hbm>> -> memref<1x80x128xi32, #tpu.memory_space<hbm>>
      %dma_wait3A_101 = tpu.memref_squeeze %dma_wait3A_100 : memref<1x80x128xi32, #tpu.memory_space<hbm>> -> memref<80x128xi32, #tpu.memory_space<hbm>>
      tpu.wait_dma2 semaphore(%run_scoped3A : memref<!tpu.dma_semaphore, #tpu.memory_space<semaphore_mem>>) src(%dma_wait3A_101 : memref<80x128xi32, #tpu.memory_space<hbm>>) dst(%arg6 : memref<80x128xi32, #tpu.memory_space<vmem>>)
      tpu.yield
    }) : () -> ()
    %mul3A = arith.constant 16 : i32
    %mul3A_11 = arith.muli %arg0, %mul3A : i32
    %add3A = arith.addi %mul3A_11, %arg1 : i32
    "tpu.region"() ({
      %run_scoped3A = tpu.sem_alloc : memref<!tpu.dma_semaphore, #tpu.memory_space<semaphore_mem>>
      %dma_start3A_87 = arith.constant 0 : i32
      %dma_start3A_88 = arith.constant 0 : i32
      %dma_start3A_89 = tpu.memref_slice %arg4[%add3A, %dma_start3A_87, %dma_start3A_88] : memref<32x80x128xi32, #tpu.memory_space<hbm>> -> memref<1x80x128xi32, #tpu.memory_space<hbm>>
      %dma_start3A_90 = tpu.memref_squeeze %dma_start3A_89 : memref<1x80x128xi32, #tpu.memory_space<hbm>> -> memref<80x128xi32, #tpu.memory_space<hbm>>
      %dma_start3A_91 = arith.constant 0 : i32
      %dma_start3A_92 = arith.constant 0 : i32
      %dma_start3A_93 = tpu.memref_slice %arg4[%add3A, %dma_start3A_91, %dma_start3A_92] : memref<32x80x128xi32, #tpu.memory_space<hbm>> -> memref<1x80x128xi32, #tpu.memory_space<hbm>>
      %dma_start3A_94 = tpu.memref_squeeze %dma_start3A_93 : memref<1x80x128xi32, #tpu.memory_space<hbm>> -> memref<80x128xi32, #tpu.memory_space<hbm>>
      tpu.enqueue_dma source(%dma_start3A_94 : memref<80x128xi32, #tpu.memory_space<hbm>>) target(%arg7 : memref<80x128xi32, #tpu.memory_space<vmem>>) target_semaphore(%run_scoped3A : memref<!tpu.dma_semaphore, #tpu.memory_space<semaphore_mem>>)
      %dma_wait3A = arith.constant 0 : i32
      %dma_wait3A_95 = arith.constant 0 : i32
      %dma_wait3A_96 = tpu.memref_slice %arg4[%add3A, %dma_wait3A, %dma_wait3A_95] : memref<32x80x128xi32, #tpu.memory_space<hbm>> -> memref<1x80x128xi32, #tpu.memory_space<hbm>>
      %dma_wait3A_97 = tpu.memref_squeeze %dma_wait3A_96 : memref<1x80x128xi32, #tpu.memory_space<hbm>> -> memref<80x128xi32, #tpu.memory_space<hbm>>
      %dma_wait3A_98 = arith.constant 0 : i32
      %dma_wait3A_99 = arith.constant 0 : i32
      %dma_wait3A_100 = tpu.memref_slice %arg4[%add3A, %dma_wait3A_98, %dma_wait3A_99] : memref<32x80x128xi32, #tpu.memory_space<hbm>> -> memref<1x80x128xi32, #tpu.memory_space<hbm>>
      %dma_wait3A_101 = tpu.memref_squeeze %dma_wait3A_100 : memref<1x80x128xi32, #tpu.memory_space<hbm>> -> memref<80x128xi32, #tpu.memory_space<hbm>>
      tpu.wait_dma2 semaphore(%run_scoped3A : memref<!tpu.dma_semaphore, #tpu.memory_space<semaphore_mem>>) src(%dma_wait3A_101 : memref<80x128xi32, #tpu.memory_space<hbm>>) dst(%arg7 : memref<80x128xi32, #tpu.memory_space<vmem>>)
      tpu.yield
    }) : () -> ()
    %mul3A_12 = arith.constant 352 : i32
    %mul3A_13 = arith.muli %arg1, %mul3A_12 : i32
    %add3A_14 = arith.constant 0 : i32
    %add3A_15 = arith.addi %mul3A_13, %add3A_14 : i32
    "tpu.region"() ({
      %run_scoped3A = tpu.sem_alloc : memref<!tpu.dma_semaphore, #tpu.memory_space<semaphore_mem>>
      %dma_start3A_87 = arith.constant 0 : i32
      %dma_start3A_88 = arith.constant 0 : i32
      %dma_start3A_89 = tpu.memref_slice %arg11[%dma_start3A_87, %dma_start3A_88] : memref<128x128xf32, #tpu.memory_space<vmem>> -> memref<128x128xf32, #tpu.memory_space<vmem>>
      %dma_start3A_90 = arith.constant 0 : i32
      %dma_start3A_91 = tpu.memref_slice %arg14[%add3A_15, %dma_start3A_90] : memref<5632x128xf32, #tpu.memory_space<vmem_shared>> -> memref<128x128xf32, #tpu.memory_space<vmem_shared>>
      %dma_start3A_92 = arith.constant 0 : i32
      %dma_start3A_93 = tpu.memref_slice %arg14[%add3A_15, %dma_start3A_92] : memref<5632x128xf32, #tpu.memory_space<vmem_shared>> -> memref<128x128xf32, #tpu.memory_space<vmem_shared>>
      %dma_start3A_94 = arith.constant 0 : i32
      %dma_start3A_95 = arith.constant 0 : i32
      %dma_start3A_96 = tpu.memref_slice %arg11[%dma_start3A_94, %dma_start3A_95] : memref<128x128xf32, #tpu.memory_space<vmem>> -> memref<128x128xf32, #tpu.memory_space<vmem>>
      tpu.enqueue_dma source(%dma_start3A_96 : memref<128x128xf32, #tpu.memory_space<vmem>>) target(%dma_start3A_93 : memref<128x128xf32, #tpu.memory_space<vmem_shared>>) target_semaphore(%run_scoped3A : memref<!tpu.dma_semaphore, #tpu.memory_space<semaphore_mem>>)
      %dma_wait3A = arith.constant 0 : i32
      %dma_wait3A_97 = arith.constant 0 : i32
      %dma_wait3A_98 = tpu.memref_slice %arg11[%dma_wait3A, %dma_wait3A_97] : memref<128x128xf32, #tpu.memory_space<vmem>> -> memref<128x128xf32, #tpu.memory_space<vmem>>
      %dma_wait3A_99 = arith.constant 0 : i32
      %dma_wait3A_100 = tpu.memref_slice %arg14[%add3A_15, %dma_wait3A_99] : memref<5632x128xf32, #tpu.memory_space<vmem_shared>> -> memref<128x128xf32, #tpu.memory_space<vmem_shared>>
      %dma_wait3A_101 = arith.constant 0 : i32
      %dma_wait3A_102 = tpu.memref_slice %arg14[%add3A_15, %dma_wait3A_101] : memref<5632x128xf32, #tpu.memory_space<vmem_shared>> -> memref<128x128xf32, #tpu.memory_space<vmem_shared>>
      %dma_wait3A_103 = arith.constant 0 : i32
      %dma_wait3A_104 = arith.constant 0 : i32
      %dma_wait3A_105 = tpu.memref_slice %arg11[%dma_wait3A_103, %dma_wait3A_104] : memref<128x128xf32, #tpu.memory_space<vmem>> -> memref<128x128xf32, #tpu.memory_space<vmem>>
      tpu.wait_dma2 semaphore(%run_scoped3A : memref<!tpu.dma_semaphore, #tpu.memory_space<semaphore_mem>>) src(%dma_wait3A_105 : memref<128x128xf32, #tpu.memory_space<vmem>>) dst(%dma_wait3A_102 : memref<128x128xf32, #tpu.memory_space<vmem_shared>>)
      tpu.yield
    }) : () -> ()
    %add3A_16 = arith.constant 128 : i32
    %add3A_17 = arith.addi %mul3A_13, %add3A_16 : i32
    "tpu.region"() ({
      %run_scoped3A = tpu.sem_alloc : memref<!tpu.dma_semaphore, #tpu.memory_space<semaphore_mem>>
      %dma_start3A_87 = arith.constant 0 : i32
      %dma_start3A_88 = arith.constant 0 : i32
      %dma_start3A_89 = tpu.memref_slice %arg11[%dma_start3A_87, %dma_start3A_88] : memref<128x128xf32, #tpu.memory_space<vmem>> -> memref<128x128xf32, #tpu.memory_space<vmem>>
      %dma_start3A_90 = arith.constant 0 : i32
      %dma_start3A_91 = tpu.memref_slice %arg14[%add3A_17, %dma_start3A_90] : memref<5632x128xf32, #tpu.memory_space<vmem_shared>> -> memref<128x128xf32, #tpu.memory_space<vmem_shared>>
      %dma_start3A_92 = arith.constant 0 : i32
      %dma_start3A_93 = tpu.memref_slice %arg14[%add3A_17, %dma_start3A_92] : memref<5632x128xf32, #tpu.memory_space<vmem_shared>> -> memref<128x128xf32, #tpu.memory_space<vmem_shared>>
      %dma_start3A_94 = arith.constant 0 : i32
      %dma_start3A_95 = arith.constant 0 : i32
      %dma_start3A_96 = tpu.memref_slice %arg11[%dma_start3A_94, %dma_start3A_95] : memref<128x128xf32, #tpu.memory_space<vmem>> -> memref<128x128xf32, #tpu.memory_space<vmem>>
      tpu.enqueue_dma source(%dma_start3A_96 : memref<128x128xf32, #tpu.memory_space<vmem>>) target(%dma_start3A_93 : memref<128x128xf32, #tpu.memory_space<vmem_shared>>) target_semaphore(%run_scoped3A : memref<!tpu.dma_semaphore, #tpu.memory_space<semaphore_mem>>)
      %dma_wait3A = arith.constant 0 : i32
      %dma_wait3A_97 = arith.constant 0 : i32
      %dma_wait3A_98 = tpu.memref_slice %arg11[%dma_wait3A, %dma_wait3A_97] : memref<128x128xf32, #tpu.memory_space<vmem>> -> memref<128x128xf32, #tpu.memory_space<vmem>>
      %dma_wait3A_99 = arith.constant 0 : i32
      %dma_wait3A_100 = tpu.memref_slice %arg14[%add3A_17, %dma_wait3A_99] : memref<5632x128xf32, #tpu.memory_space<vmem_shared>> -> memref<128x128xf32, #tpu.memory_space<vmem_shared>>
      %dma_wait3A_101 = arith.constant 0 : i32
      %dma_wait3A_102 = tpu.memref_slice %arg14[%add3A_17, %dma_wait3A_101] : memref<5632x128xf32, #tpu.memory_space<vmem_shared>> -> memref<128x128xf32, #tpu.memory_space<vmem_shared>>
      %dma_wait3A_103 = arith.constant 0 : i32
      %dma_wait3A_104 = arith.constant 0 : i32
      %dma_wait3A_105 = tpu.memref_slice %arg11[%dma_wait3A_103, %dma_wait3A_104] : memref<128x128xf32, #tpu.memory_space<vmem>> -> memref<128x128xf32, #tpu.memory_space<vmem>>
      tpu.wait_dma2 semaphore(%run_scoped3A : memref<!tpu.dma_semaphore, #tpu.memory_space<semaphore_mem>>) src(%dma_wait3A_105 : memref<128x128xf32, #tpu.memory_space<vmem>>) dst(%dma_wait3A_102 : memref<128x128xf32, #tpu.memory_space<vmem_shared>>)
      tpu.yield
    }) : () -> ()
    %add3A_18 = arith.constant 256 : i32
    %add3A_19 = arith.addi %mul3A_13, %add3A_18 : i32
    "tpu.region"() ({
      %run_scoped3A = tpu.sem_alloc : memref<!tpu.dma_semaphore, #tpu.memory_space<semaphore_mem>>
      %dma_start3A_87 = arith.constant 0 : i32
      %dma_start3A_88 = arith.constant 0 : i32
      %dma_start3A_89 = tpu.memref_slice %arg11[%dma_start3A_87, %dma_start3A_88] : memref<128x128xf32, #tpu.memory_space<vmem>> -> memref<96x128xf32, #tpu.memory_space<vmem>>
      %dma_start3A_90 = arith.constant 0 : i32
      %dma_start3A_91 = tpu.memref_slice %arg14[%add3A_19, %dma_start3A_90] : memref<5632x128xf32, #tpu.memory_space<vmem_shared>> -> memref<96x128xf32, #tpu.memory_space<vmem_shared>>
      %dma_start3A_92 = arith.constant 0 : i32
      %dma_start3A_93 = tpu.memref_slice %arg14[%add3A_19, %dma_start3A_92] : memref<5632x128xf32, #tpu.memory_space<vmem_shared>> -> memref<96x128xf32, #tpu.memory_space<vmem_shared>>
      %dma_start3A_94 = arith.constant 0 : i32
      %dma_start3A_95 = arith.constant 0 : i32
      %dma_start3A_96 = tpu.memref_slice %arg11[%dma_start3A_94, %dma_start3A_95] : memref<128x128xf32, #tpu.memory_space<vmem>> -> memref<96x128xf32, #tpu.memory_space<vmem>>
      tpu.enqueue_dma source(%dma_start3A_96 : memref<96x128xf32, #tpu.memory_space<vmem>>) target(%dma_start3A_93 : memref<96x128xf32, #tpu.memory_space<vmem_shared>>) target_semaphore(%run_scoped3A : memref<!tpu.dma_semaphore, #tpu.memory_space<semaphore_mem>>)
      %dma_wait3A = arith.constant 0 : i32
      %dma_wait3A_97 = arith.constant 0 : i32
      %dma_wait3A_98 = tpu.memref_slice %arg11[%dma_wait3A, %dma_wait3A_97] : memref<128x128xf32, #tpu.memory_space<vmem>> -> memref<96x128xf32, #tpu.memory_space<vmem>>
      %dma_wait3A_99 = arith.constant 0 : i32
      %dma_wait3A_100 = tpu.memref_slice %arg14[%add3A_19, %dma_wait3A_99] : memref<5632x128xf32, #tpu.memory_space<vmem_shared>> -> memref<96x128xf32, #tpu.memory_space<vmem_shared>>
      %dma_wait3A_101 = arith.constant 0 : i32
      %dma_wait3A_102 = tpu.memref_slice %arg14[%add3A_19, %dma_wait3A_101] : memref<5632x128xf32, #tpu.memory_space<vmem_shared>> -> memref<96x128xf32, #tpu.memory_space<vmem_shared>>
      %dma_wait3A_103 = arith.constant 0 : i32
      %dma_wait3A_104 = arith.constant 0 : i32
      %dma_wait3A_105 = tpu.memref_slice %arg11[%dma_wait3A_103, %dma_wait3A_104] : memref<128x128xf32, #tpu.memory_space<vmem>> -> memref<96x128xf32, #tpu.memory_space<vmem>>
      tpu.wait_dma2 semaphore(%run_scoped3A : memref<!tpu.dma_semaphore, #tpu.memory_space<semaphore_mem>>) src(%dma_wait3A_105 : memref<96x128xf32, #tpu.memory_space<vmem>>) dst(%dma_wait3A_102 : memref<96x128xf32, #tpu.memory_space<vmem_shared>>)
      tpu.yield
    }) : () -> ()
    %barrier3A = arith.constant 0 : index
    tpu.barrier barrier_id(%barrier3A)
    %dma_start3A = arith.constant 0 : i32
    %dma_start3A_20 = arith.constant 0 : i32
    %dma_start3A_21 = tpu.memref_slice %arg6[%dma_start3A, %dma_start3A_20] : memref<80x128xi32, #tpu.memory_space<vmem>> -> memref<1x128xi32, #tpu.memory_space<vmem>>
    %dma_start3A_22 = tpu.memref_squeeze %dma_start3A_21 : memref<1x128xi32, #tpu.memory_space<vmem>> -> memref<128xi32, #tpu.memory_space<vmem>>
    %dma_start3A_23 = arith.constant 0 : i32
    %dma_start3A_24 = arith.constant 0 : i32
    %dma_start3A_25 = tpu.memref_slice %arg2[%dma_start3A_23, %dma_start3A_24] : memref<50000x128xf32, #tpu.memory_space<hbm>> -> memref<50000x128xf32, #tpu.memory_space<hbm>>
    tpu.enqueue_indirect_dma source(%dma_start3A_25 : memref<50000x128xf32, #tpu.memory_space<hbm>>) target(%arg8 : memref<128x128xf32, #tpu.memory_space<vmem>>) offsets(%dma_start3A_22 : memref<128xi32, #tpu.memory_space<vmem>>) semaphore(%arg12 : memref<!tpu.dma_semaphore, #tpu.memory_space<semaphore_mem>>)
    %scan3A_26 = arith.constant 0 : i32
    %scan3A_27 = arith.constant 0 : i32
    %scan3A_28 = arith.constant 40 : i32
    %scan3A_29 = arith.addi %scan3A_27, %scan3A_28 : i32
    %scan3A_30 = arith.constant 1 : i32
    scf.for %scan3A_87 = %scan3A_27 to %scan3A_29 step %scan3A_30  : i32 {
      %mul3A_88 = arith.constant 2 : i32
      %mul3A_89 = arith.muli %mul3A_88, %scan3A_87 : i32
      %add3A_90 = arith.constant 1 : i32
      %add3A_91 = arith.addi %mul3A_89, %add3A_90 : i32
      %dma_start3A_92 = arith.constant 0 : i32
      %dma_start3A_93 = tpu.memref_slice %arg6[%add3A_91, %dma_start3A_92] : memref<80x128xi32, #tpu.memory_space<vmem>> -> memref<1x128xi32, #tpu.memory_space<vmem>>
      %dma_start3A_94 = tpu.memref_squeeze %dma_start3A_93 : memref<1x128xi32, #tpu.memory_space<vmem>> -> memref<128xi32, #tpu.memory_space<vmem>>
      %dma_start3A_95 = arith.constant 0 : i32
      %dma_start3A_96 = arith.constant 0 : i32
      %dma_start3A_97 = tpu.memref_slice %arg2[%dma_start3A_95, %dma_start3A_96] : memref<50000x128xf32, #tpu.memory_space<hbm>> -> memref<50000x128xf32, #tpu.memory_space<hbm>>
      tpu.enqueue_indirect_dma source(%dma_start3A_97 : memref<50000x128xf32, #tpu.memory_space<hbm>>) target(%arg9 : memref<128x128xf32, #tpu.memory_space<vmem>>) offsets(%dma_start3A_94 : memref<128xi32, #tpu.memory_space<vmem>>) semaphore(%arg13 : memref<!tpu.dma_semaphore, #tpu.memory_space<semaphore_mem>>)
      %dma_wait3A = arith.constant 0 : i32
      %dma_wait3A_98 = arith.constant 0 : i32
      %dma_wait3A_99 = tpu.memref_slice %arg6[%dma_wait3A, %dma_wait3A_98] : memref<80x128xi32, #tpu.memory_space<vmem>> -> memref<1x128xi32, #tpu.memory_space<vmem>>
      %dma_wait3A_100 = tpu.memref_squeeze %dma_wait3A_99 : memref<1x128xi32, #tpu.memory_space<vmem>> -> memref<128xi32, #tpu.memory_space<vmem>>
      %dma_wait3A_101 = arith.constant 0 : i32
      %dma_wait3A_102 = arith.constant 0 : i32
      %dma_wait3A_103 = tpu.memref_slice %arg2[%dma_wait3A_101, %dma_wait3A_102] : memref<50000x128xf32, #tpu.memory_space<hbm>> -> memref<50000x128xf32, #tpu.memory_space<hbm>>
      tpu.wait_indirect_dma semaphore(%arg12 : memref<!tpu.dma_semaphore, #tpu.memory_space<semaphore_mem>>) src(%dma_wait3A_103 : memref<50000x128xf32, #tpu.memory_space<hbm>>) dst(%arg8 : memref<128x128xf32, #tpu.memory_space<vmem>>)
      "tpu.region"() ({
        %run_scoped3A = tpu.sem_alloc : memref<!tpu.dma_semaphore, #tpu.memory_space<semaphore_mem>>
        %dma_start3A_117 = arith.constant 0 : i32
        %dma_start3A_118 = tpu.memref_slice %arg7[%mul3A_89, %dma_start3A_117] : memref<80x128xi32, #tpu.memory_space<vmem>> -> memref<1x128xi32, #tpu.memory_space<vmem>>
        %dma_start3A_119 = tpu.memref_squeeze %dma_start3A_118 : memref<1x128xi32, #tpu.memory_space<vmem>> -> memref<128xi32, #tpu.memory_space<vmem>>
        %dma_start3A_120 = arith.constant 0 : i32
        %dma_start3A_121 = arith.constant 0 : i32
        %dma_start3A_122 = tpu.memref_slice %arg14[%dma_start3A_120, %dma_start3A_121] : memref<5632x128xf32, #tpu.memory_space<vmem_shared>> -> memref<5632x128xf32, #tpu.memory_space<vmem_shared>>
        tpu.enqueue_indirect_dma source(%arg8 : memref<128x128xf32, #tpu.memory_space<vmem>>) target(%dma_start3A_122 : memref<5632x128xf32, #tpu.memory_space<vmem_shared>>) offsets(%dma_start3A_119 : memref<128xi32, #tpu.memory_space<vmem>>) semaphore(%run_scoped3A : memref<!tpu.dma_semaphore, #tpu.memory_space<semaphore_mem>>) {add = true}
        %dma_wait3A_123 = arith.constant 0 : i32
        %dma_wait3A_124 = tpu.memref_slice %arg7[%mul3A_89, %dma_wait3A_123] : memref<80x128xi32, #tpu.memory_space<vmem>> -> memref<1x128xi32, #tpu.memory_space<vmem>>
        %dma_wait3A_125 = tpu.memref_squeeze %dma_wait3A_124 : memref<1x128xi32, #tpu.memory_space<vmem>> -> memref<128xi32, #tpu.memory_space<vmem>>
        %dma_wait3A_126 = arith.constant 0 : i32
        %dma_wait3A_127 = arith.constant 0 : i32
        %dma_wait3A_128 = tpu.memref_slice %arg14[%dma_wait3A_126, %dma_wait3A_127] : memref<5632x128xf32, #tpu.memory_space<vmem_shared>> -> memref<5632x128xf32, #tpu.memory_space<vmem_shared>>
        tpu.wait_indirect_dma semaphore(%run_scoped3A : memref<!tpu.dma_semaphore, #tpu.memory_space<semaphore_mem>>) src(%arg8 : memref<128x128xf32, #tpu.memory_space<vmem>>) dst(%dma_wait3A_128 : memref<5632x128xf32, #tpu.memory_space<vmem_shared>>)
        tpu.yield
      }) : () -> ()
      %add3A_104 = arith.constant 1 : i32
      %add3A_105 = arith.addi %scan3A_87, %add3A_104 : i32
      %lt3A = arith.constant 40 : i32
      %lt3A_106 = arith.cmpi slt, %add3A_105, %lt3A : i32
      %convert_element_type3A = arith.extui %lt3A_106 : i1 to i32
      %cond3A = arith.constant 0 : i32
      %cond3A_107 = arith.cmpi ne, %convert_element_type3A, %cond3A : i32
      scf.if %cond3A_107 {
        %add3A_117 = arith.constant 2 : i32
        %add3A_118 = arith.addi %mul3A_89, %add3A_117 : i32
        %dma_start3A_119 = arith.constant 0 : i32
        %dma_start3A_120 = tpu.memref_slice %arg6[%add3A_118, %dma_start3A_119] : memref<80x128xi32, #tpu.memory_space<vmem>> -> memref<1x128xi32, #tpu.memory_space<vmem>>
        %dma_start3A_121 = tpu.memref_squeeze %dma_start3A_120 : memref<1x128xi32, #tpu.memory_space<vmem>> -> memref<128xi32, #tpu.memory_space<vmem>>
        %dma_start3A_122 = arith.constant 0 : i32
        %dma_start3A_123 = arith.constant 0 : i32
        %dma_start3A_124 = tpu.memref_slice %arg2[%dma_start3A_122, %dma_start3A_123] : memref<50000x128xf32, #tpu.memory_space<hbm>> -> memref<50000x128xf32, #tpu.memory_space<hbm>>
        tpu.enqueue_indirect_dma source(%dma_start3A_124 : memref<50000x128xf32, #tpu.memory_space<hbm>>) target(%arg8 : memref<128x128xf32, #tpu.memory_space<vmem>>) offsets(%dma_start3A_121 : memref<128xi32, #tpu.memory_space<vmem>>) semaphore(%arg12 : memref<!tpu.dma_semaphore, #tpu.memory_space<semaphore_mem>>)
      } else {
      }
      %dma_wait3A_108 = arith.constant 0 : i32
      %dma_wait3A_109 = arith.constant 0 : i32
      %dma_wait3A_110 = tpu.memref_slice %arg6[%dma_wait3A_108, %dma_wait3A_109] : memref<80x128xi32, #tpu.memory_space<vmem>> -> memref<1x128xi32, #tpu.memory_space<vmem>>
      %dma_wait3A_111 = tpu.memref_squeeze %dma_wait3A_110 : memref<1x128xi32, #tpu.memory_space<vmem>> -> memref<128xi32, #tpu.memory_space<vmem>>
      %dma_wait3A_112 = arith.constant 0 : i32
      %dma_wait3A_113 = arith.constant 0 : i32
      %dma_wait3A_114 = tpu.memref_slice %arg2[%dma_wait3A_112, %dma_wait3A_113] : memref<50000x128xf32, #tpu.memory_space<hbm>> -> memref<50000x128xf32, #tpu.memory_space<hbm>>
      tpu.wait_indirect_dma semaphore(%arg13 : memref<!tpu.dma_semaphore, #tpu.memory_space<semaphore_mem>>) src(%dma_wait3A_114 : memref<50000x128xf32, #tpu.memory_space<hbm>>) dst(%arg9 : memref<128x128xf32, #tpu.memory_space<vmem>>)
      %add3A_115 = arith.constant 1 : i32
      %add3A_116 = arith.addi %mul3A_89, %add3A_115 : i32
      "tpu.region"() ({
        %run_scoped3A = tpu.sem_alloc : memref<!tpu.dma_semaphore, #tpu.memory_space<semaphore_mem>>
        %dma_start3A_117 = arith.constant 0 : i32
        %dma_start3A_118 = tpu.memref_slice %arg7[%add3A_116, %dma_start3A_117] : memref<80x128xi32, #tpu.memory_space<vmem>> -> memref<1x128xi32, #tpu.memory_space<vmem>>
        %dma_start3A_119 = tpu.memref_squeeze %dma_start3A_118 : memref<1x128xi32, #tpu.memory_space<vmem>> -> memref<128xi32, #tpu.memory_space<vmem>>
        %dma_start3A_120 = arith.constant 0 : i32
        %dma_start3A_121 = arith.constant 0 : i32
        %dma_start3A_122 = tpu.memref_slice %arg14[%dma_start3A_120, %dma_start3A_121] : memref<5632x128xf32, #tpu.memory_space<vmem_shared>> -> memref<5632x128xf32, #tpu.memory_space<vmem_shared>>
        tpu.enqueue_indirect_dma source(%arg9 : memref<128x128xf32, #tpu.memory_space<vmem>>) target(%dma_start3A_122 : memref<5632x128xf32, #tpu.memory_space<vmem_shared>>) offsets(%dma_start3A_119 : memref<128xi32, #tpu.memory_space<vmem>>) semaphore(%run_scoped3A : memref<!tpu.dma_semaphore, #tpu.memory_space<semaphore_mem>>) {add = true}
        %dma_wait3A_123 = arith.constant 0 : i32
        %dma_wait3A_124 = tpu.memref_slice %arg7[%add3A_116, %dma_wait3A_123] : memref<80x128xi32, #tpu.memory_space<vmem>> -> memref<1x128xi32, #tpu.memory_space<vmem>>
        %dma_wait3A_125 = tpu.memref_squeeze %dma_wait3A_124 : memref<1x128xi32, #tpu.memory_space<vmem>> -> memref<128xi32, #tpu.memory_space<vmem>>
        %dma_wait3A_126 = arith.constant 0 : i32
        %dma_wait3A_127 = arith.constant 0 : i32
        %dma_wait3A_128 = tpu.memref_slice %arg14[%dma_wait3A_126, %dma_wait3A_127] : memref<5632x128xf32, #tpu.memory_space<vmem_shared>> -> memref<5632x128xf32, #tpu.memory_space<vmem_shared>>
        tpu.wait_indirect_dma semaphore(%run_scoped3A : memref<!tpu.dma_semaphore, #tpu.memory_space<semaphore_mem>>) src(%arg9 : memref<128x128xf32, #tpu.memory_space<vmem>>) dst(%dma_wait3A_128 : memref<5632x128xf32, #tpu.memory_space<vmem_shared>>)
        tpu.yield
      }) : () -> ()
    }
    %scan3A_31 = arith.constant 40 : i32
    %barrier3A_32 = arith.constant 0 : index
    tpu.barrier barrier_id(%barrier3A_32)
    %mul3A_33 = arith.constant 328 : i32
    %mul3A_34 = arith.muli %arg1, %mul3A_33 : i32
    %add3A_35 = arith.constant 0 : i32
    %add3A_36 = arith.addi %add3A_35, %arg0 : i32
    %mul3A_37 = arith.constant 6144 : i32
    %mul3A_38 = arith.muli %add3A_36, %mul3A_37 : i32
    %add3A_39 = arith.addi %mul3A_38, %mul3A_34 : i32
    %add3A_40 = arith.constant 0 : i32
    %add3A_41 = arith.addi %mul3A_34, %add3A_40 : i32
    %add3A_42 = arith.constant 0 : i32
    %add3A_43 = arith.addi %add3A_39, %add3A_42 : i32
    "tpu.region"() ({
      %run_scoped3A = tpu.sem_alloc : memref<!tpu.dma_semaphore, #tpu.memory_space<semaphore_mem>>
      %dma_start3A_87 = arith.constant 0 : i32
      %dma_start3A_88 = tpu.memref_slice %arg5[%add3A_43, %dma_start3A_87] : memref<24576x128xf32, #tpu.memory_space<hbm>> -> memref<128x128xf32, #tpu.memory_space<hbm>>
      %dma_start3A_89 = arith.constant 0 : i32
      %dma_start3A_90 = tpu.memref_slice %arg14[%add3A_41, %dma_start3A_89] : memref<5632x128xf32, #tpu.memory_space<vmem_shared>> -> memref<128x128xf32, #tpu.memory_space<vmem_shared>>
      tpu.enqueue_dma source(%dma_start3A_90 : memref<128x128xf32, #tpu.memory_space<vmem_shared>>) target(%dma_start3A_88 : memref<128x128xf32, #tpu.memory_space<hbm>>) target_semaphore(%run_scoped3A : memref<!tpu.dma_semaphore, #tpu.memory_space<semaphore_mem>>)
      %dma_wait3A = arith.constant 0 : i32
      %dma_wait3A_91 = tpu.memref_slice %arg5[%add3A_43, %dma_wait3A] : memref<24576x128xf32, #tpu.memory_space<hbm>> -> memref<128x128xf32, #tpu.memory_space<hbm>>
      %dma_wait3A_92 = arith.constant 0 : i32
      %dma_wait3A_93 = tpu.memref_slice %arg14[%add3A_41, %dma_wait3A_92] : memref<5632x128xf32, #tpu.memory_space<vmem_shared>> -> memref<128x128xf32, #tpu.memory_space<vmem_shared>>
      tpu.wait_dma2 semaphore(%run_scoped3A : memref<!tpu.dma_semaphore, #tpu.memory_space<semaphore_mem>>) src(%dma_wait3A_93 : memref<128x128xf32, #tpu.memory_space<vmem_shared>>) dst(%dma_wait3A_91 : memref<128x128xf32, #tpu.memory_space<hbm>>)
      tpu.yield
    }) : () -> ()
    %add3A_44 = arith.constant 128 : i32
    %add3A_45 = arith.addi %mul3A_34, %add3A_44 : i32
    %add3A_46 = arith.constant 128 : i32
    %add3A_47 = arith.addi %add3A_39, %add3A_46 : i32
    "tpu.region"() ({
      %run_scoped3A = tpu.sem_alloc : memref<!tpu.dma_semaphore, #tpu.memory_space<semaphore_mem>>
      %dma_start3A_87 = arith.constant 0 : i32
      %dma_start3A_88 = tpu.memref_slice %arg5[%add3A_47, %dma_start3A_87] : memref<24576x128xf32, #tpu.memory_space<hbm>> -> memref<128x128xf32, #tpu.memory_space<hbm>>
      %dma_start3A_89 = arith.constant 0 : i32
      %dma_start3A_90 = tpu.memref_slice %arg14[%add3A_45, %dma_start3A_89] : memref<5632x128xf32, #tpu.memory_space<vmem_shared>> -> memref<128x128xf32, #tpu.memory_space<vmem_shared>>
      tpu.enqueue_dma source(%dma_start3A_90 : memref<128x128xf32, #tpu.memory_space<vmem_shared>>) target(%dma_start3A_88 : memref<128x128xf32, #tpu.memory_space<hbm>>) target_semaphore(%run_scoped3A : memref<!tpu.dma_semaphore, #tpu.memory_space<semaphore_mem>>)
      %dma_wait3A = arith.constant 0 : i32
      %dma_wait3A_91 = tpu.memref_slice %arg5[%add3A_47, %dma_wait3A] : memref<24576x128xf32, #tpu.memory_space<hbm>> -> memref<128x128xf32, #tpu.memory_space<hbm>>
      %dma_wait3A_92 = arith.constant 0 : i32
      %dma_wait3A_93 = tpu.memref_slice %arg14[%add3A_45, %dma_wait3A_92] : memref<5632x128xf32, #tpu.memory_space<vmem_shared>> -> memref<128x128xf32, #tpu.memory_space<vmem_shared>>
      tpu.wait_dma2 semaphore(%run_scoped3A : memref<!tpu.dma_semaphore, #tpu.memory_space<semaphore_mem>>) src(%dma_wait3A_93 : memref<128x128xf32, #tpu.memory_space<vmem_shared>>) dst(%dma_wait3A_91 : memref<128x128xf32, #tpu.memory_space<hbm>>)
      tpu.yield
    }) : () -> ()
    %add3A_48 = arith.constant 256 : i32
    %add3A_49 = arith.addi %mul3A_34, %add3A_48 : i32
    %add3A_50 = arith.constant 256 : i32
    %add3A_51 = arith.addi %add3A_39, %add3A_50 : i32
    "tpu.region"() ({
      %run_scoped3A = tpu.sem_alloc : memref<!tpu.dma_semaphore, #tpu.memory_space<semaphore_mem>>
      %dma_start3A_87 = arith.constant 0 : i32
      %dma_start3A_88 = tpu.memref_slice %arg5[%add3A_51, %dma_start3A_87] : memref<24576x128xf32, #tpu.memory_space<hbm>> -> memref<72x128xf32, #tpu.memory_space<hbm>>
      %dma_start3A_89 = arith.constant 0 : i32
      %dma_start3A_90 = tpu.memref_slice %arg14[%add3A_49, %dma_start3A_89] : memref<5632x128xf32, #tpu.memory_space<vmem_shared>> -> memref<72x128xf32, #tpu.memory_space<vmem_shared>>
      tpu.enqueue_dma source(%dma_start3A_90 : memref<72x128xf32, #tpu.memory_space<vmem_shared>>) target(%dma_start3A_88 : memref<72x128xf32, #tpu.memory_space<hbm>>) target_semaphore(%run_scoped3A : memref<!tpu.dma_semaphore, #tpu.memory_space<semaphore_mem>>)
      %dma_wait3A = arith.constant 0 : i32
      %dma_wait3A_91 = tpu.memref_slice %arg5[%add3A_51, %dma_wait3A] : memref<24576x128xf32, #tpu.memory_space<hbm>> -> memref<72x128xf32, #tpu.memory_space<hbm>>
      %dma_wait3A_92 = arith.constant 0 : i32
      %dma_wait3A_93 = tpu.memref_slice %arg14[%add3A_49, %dma_wait3A_92] : memref<5632x128xf32, #tpu.memory_space<vmem_shared>> -> memref<72x128xf32, #tpu.memory_space<vmem_shared>>
      tpu.wait_dma2 semaphore(%run_scoped3A : memref<!tpu.dma_semaphore, #tpu.memory_space<semaphore_mem>>) src(%dma_wait3A_93 : memref<72x128xf32, #tpu.memory_space<vmem_shared>>) dst(%dma_wait3A_91 : memref<72x128xf32, #tpu.memory_space<hbm>>)
      tpu.yield
    }) : () -> ()
    %mul3A_52 = arith.constant 352 : i32
    %mul3A_53 = arith.muli %arg1, %mul3A_52 : i32
    %add3A_54 = arith.constant 0 : i32
    %add3A_55 = arith.addi %mul3A_53, %add3A_54 : i32
    "tpu.region"() ({
      %run_scoped3A = tpu.sem_alloc : memref<!tpu.dma_semaphore, #tpu.memory_space<semaphore_mem>>
      %dma_start3A_87 = arith.constant 0 : i32
      %dma_start3A_88 = arith.constant 0 : i32
      %dma_start3A_89 = tpu.memref_slice %arg11[%dma_start3A_87, %dma_start3A_88] : memref<128x128xf32, #tpu.memory_space<vmem>> -> memref<128x128xf32, #tpu.memory_space<vmem>>
      %dma_start3A_90 = arith.constant 0 : i32
      %dma_start3A_91 = tpu.memref_slice %arg14[%add3A_55, %dma_start3A_90] : memref<5632x128xf32, #tpu.memory_space<vmem_shared>> -> memref<128x128xf32, #tpu.memory_space<vmem_shared>>
      %dma_start3A_92 = arith.constant 0 : i32
      %dma_start3A_93 = tpu.memref_slice %arg14[%add3A_55, %dma_start3A_92] : memref<5632x128xf32, #tpu.memory_space<vmem_shared>> -> memref<128x128xf32, #tpu.memory_space<vmem_shared>>
      %dma_start3A_94 = arith.constant 0 : i32
      %dma_start3A_95 = arith.constant 0 : i32
      %dma_start3A_96 = tpu.memref_slice %arg11[%dma_start3A_94, %dma_start3A_95] : memref<128x128xf32, #tpu.memory_space<vmem>> -> memref<128x128xf32, #tpu.memory_space<vmem>>
      tpu.enqueue_dma source(%dma_start3A_96 : memref<128x128xf32, #tpu.memory_space<vmem>>) target(%dma_start3A_93 : memref<128x128xf32, #tpu.memory_space<vmem_shared>>) target_semaphore(%run_scoped3A : memref<!tpu.dma_semaphore, #tpu.memory_space<semaphore_mem>>)
      %dma_wait3A = arith.constant 0 : i32
      %dma_wait3A_97 = arith.constant 0 : i32
      %dma_wait3A_98 = tpu.memref_slice %arg11[%dma_wait3A, %dma_wait3A_97] : memref<128x128xf32, #tpu.memory_space<vmem>> -> memref<128x128xf32, #tpu.memory_space<vmem>>
      %dma_wait3A_99 = arith.constant 0 : i32
      %dma_wait3A_100 = tpu.memref_slice %arg14[%add3A_55, %dma_wait3A_99] : memref<5632x128xf32, #tpu.memory_space<vmem_shared>> -> memref<128x128xf32, #tpu.memory_space<vmem_shared>>
      %dma_wait3A_101 = arith.constant 0 : i32
      %dma_wait3A_102 = tpu.memref_slice %arg14[%add3A_55, %dma_wait3A_101] : memref<5632x128xf32, #tpu.memory_space<vmem_shared>> -> memref<128x128xf32, #tpu.memory_space<vmem_shared>>
      %dma_wait3A_103 = arith.constant 0 : i32
      %dma_wait3A_104 = arith.constant 0 : i32
      %dma_wait3A_105 = tpu.memref_slice %arg11[%dma_wait3A_103, %dma_wait3A_104] : memref<128x128xf32, #tpu.memory_space<vmem>> -> memref<128x128xf32, #tpu.memory_space<vmem>>
      tpu.wait_dma2 semaphore(%run_scoped3A : memref<!tpu.dma_semaphore, #tpu.memory_space<semaphore_mem>>) src(%dma_wait3A_105 : memref<128x128xf32, #tpu.memory_space<vmem>>) dst(%dma_wait3A_102 : memref<128x128xf32, #tpu.memory_space<vmem_shared>>)
      tpu.yield
    }) : () -> ()
    %add3A_56 = arith.constant 128 : i32
    %add3A_57 = arith.addi %mul3A_53, %add3A_56 : i32
    "tpu.region"() ({
      %run_scoped3A = tpu.sem_alloc : memref<!tpu.dma_semaphore, #tpu.memory_space<semaphore_mem>>
      %dma_start3A_87 = arith.constant 0 : i32
      %dma_start3A_88 = arith.constant 0 : i32
      %dma_start3A_89 = tpu.memref_slice %arg11[%dma_start3A_87, %dma_start3A_88] : memref<128x128xf32, #tpu.memory_space<vmem>> -> memref<128x128xf32, #tpu.memory_space<vmem>>
      %dma_start3A_90 = arith.constant 0 : i32
      %dma_start3A_91 = tpu.memref_slice %arg14[%add3A_57, %dma_start3A_90] : memref<5632x128xf32, #tpu.memory_space<vmem_shared>> -> memref<128x128xf32, #tpu.memory_space<vmem_shared>>
      %dma_start3A_92 = arith.constant 0 : i32
      %dma_start3A_93 = tpu.memref_slice %arg14[%add3A_57, %dma_start3A_92] : memref<5632x128xf32, #tpu.memory_space<vmem_shared>> -> memref<128x128xf32, #tpu.memory_space<vmem_shared>>
      %dma_start3A_94 = arith.constant 0 : i32
      %dma_start3A_95 = arith.constant 0 : i32
      %dma_start3A_96 = tpu.memref_slice %arg11[%dma_start3A_94, %dma_start3A_95] : memref<128x128xf32, #tpu.memory_space<vmem>> -> memref<128x128xf32, #tpu.memory_space<vmem>>
      tpu.enqueue_dma source(%dma_start3A_96 : memref<128x128xf32, #tpu.memory_space<vmem>>) target(%dma_start3A_93 : memref<128x128xf32, #tpu.memory_space<vmem_shared>>) target_semaphore(%run_scoped3A : memref<!tpu.dma_semaphore, #tpu.memory_space<semaphore_mem>>)
      %dma_wait3A = arith.constant 0 : i32
      %dma_wait3A_97 = arith.constant 0 : i32
      %dma_wait3A_98 = tpu.memref_slice %arg11[%dma_wait3A, %dma_wait3A_97] : memref<128x128xf32, #tpu.memory_space<vmem>> -> memref<128x128xf32, #tpu.memory_space<vmem>>
      %dma_wait3A_99 = arith.constant 0 : i32
      %dma_wait3A_100 = tpu.memref_slice %arg14[%add3A_57, %dma_wait3A_99] : memref<5632x128xf32, #tpu.memory_space<vmem_shared>> -> memref<128x128xf32, #tpu.memory_space<vmem_shared>>
      %dma_wait3A_101 = arith.constant 0 : i32
      %dma_wait3A_102 = tpu.memref_slice %arg14[%add3A_57, %dma_wait3A_101] : memref<5632x128xf32, #tpu.memory_space<vmem_shared>> -> memref<128x128xf32, #tpu.memory_space<vmem_shared>>
      %dma_wait3A_103 = arith.constant 0 : i32
      %dma_wait3A_104 = arith.constant 0 : i32
      %dma_wait3A_105 = tpu.memref_slice %arg11[%dma_wait3A_103, %dma_wait3A_104] : memref<128x128xf32, #tpu.memory_space<vmem>> -> memref<128x128xf32, #tpu.memory_space<vmem>>
      tpu.wait_dma2 semaphore(%run_scoped3A : memref<!tpu.dma_semaphore, #tpu.memory_space<semaphore_mem>>) src(%dma_wait3A_105 : memref<128x128xf32, #tpu.memory_space<vmem>>) dst(%dma_wait3A_102 : memref<128x128xf32, #tpu.memory_space<vmem_shared>>)
      tpu.yield
    }) : () -> ()
    %add3A_58 = arith.constant 256 : i32
    %add3A_59 = arith.addi %mul3A_53, %add3A_58 : i32
    "tpu.region"() ({
      %run_scoped3A = tpu.sem_alloc : memref<!tpu.dma_semaphore, #tpu.memory_space<semaphore_mem>>
      %dma_start3A_87 = arith.constant 0 : i32
      %dma_start3A_88 = arith.constant 0 : i32
      %dma_start3A_89 = tpu.memref_slice %arg11[%dma_start3A_87, %dma_start3A_88] : memref<128x128xf32, #tpu.memory_space<vmem>> -> memref<96x128xf32, #tpu.memory_space<vmem>>
      %dma_start3A_90 = arith.constant 0 : i32
      %dma_start3A_91 = tpu.memref_slice %arg14[%add3A_59, %dma_start3A_90] : memref<5632x128xf32, #tpu.memory_space<vmem_shared>> -> memref<96x128xf32, #tpu.memory_space<vmem_shared>>
      %dma_start3A_92 = arith.constant 0 : i32
      %dma_start3A_93 = tpu.memref_slice %arg14[%add3A_59, %dma_start3A_92] : memref<5632x128xf32, #tpu.memory_space<vmem_shared>> -> memref<96x128xf32, #tpu.memory_space<vmem_shared>>
      %dma_start3A_94 = arith.constant 0 : i32
      %dma_start3A_95 = arith.constant 0 : i32
      %dma_start3A_96 = tpu.memref_slice %arg11[%dma_start3A_94, %dma_start3A_95] : memref<128x128xf32, #tpu.memory_space<vmem>> -> memref<96x128xf32, #tpu.memory_space<vmem>>
      tpu.enqueue_dma source(%dma_start3A_96 : memref<96x128xf32, #tpu.memory_space<vmem>>) target(%dma_start3A_93 : memref<96x128xf32, #tpu.memory_space<vmem_shared>>) target_semaphore(%run_scoped3A : memref<!tpu.dma_semaphore, #tpu.memory_space<semaphore_mem>>)
      %dma_wait3A = arith.constant 0 : i32
      %dma_wait3A_97 = arith.constant 0 : i32
      %dma_wait3A_98 = tpu.memref_slice %arg11[%dma_wait3A, %dma_wait3A_97] : memref<128x128xf32, #tpu.memory_space<vmem>> -> memref<96x128xf32, #tpu.memory_space<vmem>>
      %dma_wait3A_99 = arith.constant 0 : i32
      %dma_wait3A_100 = tpu.memref_slice %arg14[%add3A_59, %dma_wait3A_99] : memref<5632x128xf32, #tpu.memory_space<vmem_shared>> -> memref<96x128xf32, #tpu.memory_space<vmem_shared>>
      %dma_wait3A_101 = arith.constant 0 : i32
      %dma_wait3A_102 = tpu.memref_slice %arg14[%add3A_59, %dma_wait3A_101] : memref<5632x128xf32, #tpu.memory_space<vmem_shared>> -> memref<96x128xf32, #tpu.memory_space<vmem_shared>>
      %dma_wait3A_103 = arith.constant 0 : i32
      %dma_wait3A_104 = arith.constant 0 : i32
      %dma_wait3A_105 = tpu.memref_slice %arg11[%dma_wait3A_103, %dma_wait3A_104] : memref<128x128xf32, #tpu.memory_space<vmem>> -> memref<96x128xf32, #tpu.memory_space<vmem>>
      tpu.wait_dma2 semaphore(%run_scoped3A : memref<!tpu.dma_semaphore, #tpu.memory_space<semaphore_mem>>) src(%dma_wait3A_105 : memref<96x128xf32, #tpu.memory_space<vmem>>) dst(%dma_wait3A_102 : memref<96x128xf32, #tpu.memory_space<vmem_shared>>)
      tpu.yield
    }) : () -> ()
    %barrier3A_60 = arith.constant 0 : index
    tpu.barrier barrier_id(%barrier3A_60)
    %scan3A_61 = arith.constant 0 : i32
    %scan3A_62 = arith.constant 0 : i32
    %scan3A_63 = arith.constant 80 : i32
    %scan3A_64 = arith.addi %scan3A_62, %scan3A_63 : i32
    %scan3A_65 = arith.constant 1 : i32
    scf.for %scan3A_87 = %scan3A_62 to %scan3A_64 step %scan3A_65  : i32 {
      "tpu.region"() ({
        %run_scoped3A = tpu.sem_alloc : memref<!tpu.dma_semaphore, #tpu.memory_space<semaphore_mem>>
        %dma_start3A_88 = arith.constant 0 : i32
        %dma_start3A_89 = tpu.memref_slice %arg7[%scan3A_87, %dma_start3A_88] : memref<80x128xi32, #tpu.memory_space<vmem>> -> memref<1x128xi32, #tpu.memory_space<vmem>>
        %dma_start3A_90 = tpu.memref_squeeze %dma_start3A_89 : memref<1x128xi32, #tpu.memory_space<vmem>> -> memref<128xi32, #tpu.memory_space<vmem>>
        %dma_start3A_91 = arith.constant 0 : i32
        %dma_start3A_92 = arith.constant 0 : i32
        %dma_start3A_93 = tpu.memref_slice %arg14[%dma_start3A_91, %dma_start3A_92] : memref<5632x128xf32, #tpu.memory_space<vmem_shared>> -> memref<5632x128xf32, #tpu.memory_space<vmem_shared>>
        tpu.enqueue_indirect_dma source(%arg10 : memref<128x128xf32, #tpu.memory_space<vmem>>) target(%dma_start3A_93 : memref<5632x128xf32, #tpu.memory_space<vmem_shared>>) offsets(%dma_start3A_90 : memref<128xi32, #tpu.memory_space<vmem>>) semaphore(%run_scoped3A : memref<!tpu.dma_semaphore, #tpu.memory_space<semaphore_mem>>) {add = true}
        %dma_wait3A = arith.constant 0 : i32
        %dma_wait3A_94 = tpu.memref_slice %arg7[%scan3A_87, %dma_wait3A] : memref<80x128xi32, #tpu.memory_space<vmem>> -> memref<1x128xi32, #tpu.memory_space<vmem>>
        %dma_wait3A_95 = tpu.memref_squeeze %dma_wait3A_94 : memref<1x128xi32, #tpu.memory_space<vmem>> -> memref<128xi32, #tpu.memory_space<vmem>>
        %dma_wait3A_96 = arith.constant 0 : i32
        %dma_wait3A_97 = arith.constant 0 : i32
        %dma_wait3A_98 = tpu.memref_slice %arg14[%dma_wait3A_96, %dma_wait3A_97] : memref<5632x128xf32, #tpu.memory_space<vmem_shared>> -> memref<5632x128xf32, #tpu.memory_space<vmem_shared>>
        tpu.wait_indirect_dma semaphore(%run_scoped3A : memref<!tpu.dma_semaphore, #tpu.memory_space<semaphore_mem>>) src(%arg10 : memref<128x128xf32, #tpu.memory_space<vmem>>) dst(%dma_wait3A_98 : memref<5632x128xf32, #tpu.memory_space<vmem_shared>>)
        tpu.yield
      }) : () -> ()
    }
    %scan3A_66 = arith.constant 80 : i32
    %barrier3A_67 = arith.constant 0 : index
    tpu.barrier barrier_id(%barrier3A_67)
    %mul3A_68 = arith.constant 328 : i32
    %mul3A_69 = arith.muli %arg1, %mul3A_68 : i32
    %add3A_70 = arith.constant 2 : i32
    %add3A_71 = arith.addi %add3A_70, %arg0 : i32
    %mul3A_72 = arith.constant 6144 : i32
    %mul3A_73 = arith.muli %add3A_71, %mul3A_72 : i32
    %add3A_74 = arith.addi %mul3A_73, %mul3A_69 : i32
    %add3A_75 = arith.constant 0 : i32
    %add3A_76 = arith.addi %mul3A_69, %add3A_75 : i32
    %add3A_77 = arith.constant 0 : i32
    %add3A_78 = arith.addi %add3A_74, %add3A_77 : i32
    "tpu.region"() ({
      %run_scoped3A = tpu.sem_alloc : memref<!tpu.dma_semaphore, #tpu.memory_space<semaphore_mem>>
      %dma_start3A_87 = arith.constant 0 : i32
      %dma_start3A_88 = tpu.memref_slice %arg5[%add3A_78, %dma_start3A_87] : memref<24576x128xf32, #tpu.memory_space<hbm>> -> memref<128x128xf32, #tpu.memory_space<hbm>>
      %dma_start3A_89 = arith.constant 0 : i32
      %dma_start3A_90 = tpu.memref_slice %arg14[%add3A_76, %dma_start3A_89] : memref<5632x128xf32, #tpu.memory_space<vmem_shared>> -> memref<128x128xf32, #tpu.memory_space<vmem_shared>>
      tpu.enqueue_dma source(%dma_start3A_90 : memref<128x128xf32, #tpu.memory_space<vmem_shared>>) target(%dma_start3A_88 : memref<128x128xf32, #tpu.memory_space<hbm>>) target_semaphore(%run_scoped3A : memref<!tpu.dma_semaphore, #tpu.memory_space<semaphore_mem>>)
      %dma_wait3A = arith.constant 0 : i32
      %dma_wait3A_91 = tpu.memref_slice %arg5[%add3A_78, %dma_wait3A] : memref<24576x128xf32, #tpu.memory_space<hbm>> -> memref<128x128xf32, #tpu.memory_space<hbm>>
      %dma_wait3A_92 = arith.constant 0 : i32
      %dma_wait3A_93 = tpu.memref_slice %arg14[%add3A_76, %dma_wait3A_92] : memref<5632x128xf32, #tpu.memory_space<vmem_shared>> -> memref<128x128xf32, #tpu.memory_space<vmem_shared>>
      tpu.wait_dma2 semaphore(%run_scoped3A : memref<!tpu.dma_semaphore, #tpu.memory_space<semaphore_mem>>) src(%dma_wait3A_93 : memref<128x128xf32, #tpu.memory_space<vmem_shared>>) dst(%dma_wait3A_91 : memref<128x128xf32, #tpu.memory_space<hbm>>)
      tpu.yield
    }) : () -> ()
    %add3A_79 = arith.constant 128 : i32
    %add3A_80 = arith.addi %mul3A_69, %add3A_79 : i32
    %add3A_81 = arith.constant 128 : i32
    %add3A_82 = arith.addi %add3A_74, %add3A_81 : i32
    "tpu.region"() ({
      %run_scoped3A = tpu.sem_alloc : memref<!tpu.dma_semaphore, #tpu.memory_space<semaphore_mem>>
      %dma_start3A_87 = arith.constant 0 : i32
      %dma_start3A_88 = tpu.memref_slice %arg5[%add3A_82, %dma_start3A_87] : memref<24576x128xf32, #tpu.memory_space<hbm>> -> memref<128x128xf32, #tpu.memory_space<hbm>>
      %dma_start3A_89 = arith.constant 0 : i32
      %dma_start3A_90 = tpu.memref_slice %arg14[%add3A_80, %dma_start3A_89] : memref<5632x128xf32, #tpu.memory_space<vmem_shared>> -> memref<128x128xf32, #tpu.memory_space<vmem_shared>>
      tpu.enqueue_dma source(%dma_start3A_90 : memref<128x128xf32, #tpu.memory_space<vmem_shared>>) target(%dma_start3A_88 : memref<128x128xf32, #tpu.memory_space<hbm>>) target_semaphore(%run_scoped3A : memref<!tpu.dma_semaphore, #tpu.memory_space<semaphore_mem>>)
      %dma_wait3A = arith.constant 0 : i32
      %dma_wait3A_91 = tpu.memref_slice %arg5[%add3A_82, %dma_wait3A] : memref<24576x128xf32, #tpu.memory_space<hbm>> -> memref<128x128xf32, #tpu.memory_space<hbm>>
      %dma_wait3A_92 = arith.constant 0 : i32
      %dma_wait3A_93 = tpu.memref_slice %arg14[%add3A_80, %dma_wait3A_92] : memref<5632x128xf32, #tpu.memory_space<vmem_shared>> -> memref<128x128xf32, #tpu.memory_space<vmem_shared>>
      tpu.wait_dma2 semaphore(%run_scoped3A : memref<!tpu.dma_semaphore, #tpu.memory_space<semaphore_mem>>) src(%dma_wait3A_93 : memref<128x128xf32, #tpu.memory_space<vmem_shared>>) dst(%dma_wait3A_91 : memref<128x128xf32, #tpu.memory_space<hbm>>)
      tpu.yield
    }) : () -> ()
    %add3A_83 = arith.constant 256 : i32
    %add3A_84 = arith.addi %mul3A_69, %add3A_83 : i32
    %add3A_85 = arith.constant 256 : i32
    %add3A_86 = arith.addi %add3A_74, %add3A_85 : i32
    "tpu.region"() ({
      %run_scoped3A = tpu.sem_alloc : memref<!tpu.dma_semaphore, #tpu.memory_space<semaphore_mem>>
      %dma_start3A_87 = arith.constant 0 : i32
      %dma_start3A_88 = tpu.memref_slice %arg5[%add3A_86, %dma_start3A_87] : memref<24576x128xf32, #tpu.memory_space<hbm>> -> memref<72x128xf32, #tpu.memory_space<hbm>>
      %dma_start3A_89 = arith.constant 0 : i32
      %dma_start3A_90 = tpu.memref_slice %arg14[%add3A_84, %dma_start3A_89] : memref<5632x128xf32, #tpu.memory_space<vmem_shared>> -> memref<72x128xf32, #tpu.memory_space<vmem_shared>>
      tpu.enqueue_dma source(%dma_start3A_90 : memref<72x128xf32, #tpu.memory_space<vmem_shared>>) target(%dma_start3A_88 : memref<72x128xf32, #tpu.memory_space<hbm>>) target_semaphore(%run_scoped3A : memref<!tpu.dma_semaphore, #tpu.memory_space<semaphore_mem>>)
      %dma_wait3A = arith.constant 0 : i32
      %dma_wait3A_91 = tpu.memref_slice %arg5[%add3A_86, %dma_wait3A] : memref<24576x128xf32, #tpu.memory_space<hbm>> -> memref<72x128xf32, #tpu.memory_space<hbm>>
      %dma_wait3A_92 = arith.constant 0 : i32
      %dma_wait3A_93 = tpu.memref_slice %arg14[%add3A_84, %dma_wait3A_92] : memref<5632x128xf32, #tpu.memory_space<vmem_shared>> -> memref<72x128xf32, #tpu.memory_space<vmem_shared>>
      tpu.wait_dma2 semaphore(%run_scoped3A : memref<!tpu.dma_semaphore, #tpu.memory_space<semaphore_mem>>) src(%dma_wait3A_93 : memref<72x128xf32, #tpu.memory_space<vmem_shared>>) dst(%dma_wait3A_91 : memref<72x128xf32, #tpu.memory_space<hbm>>)
      tpu.yield
    }) : () -> ()
    return
  }
}

#map = affine_map<(d0, d1) -> (0, 0)>
#map1 = affine_map<(d0, d1) -> (0, 0, 0)>
module attributes {stable_mosaic.version = 14 : i64} {
  func.func @body(%arg0: i32, %arg1: i32, %arg2: memref<10240x128xf32, #tpu.memory_space<hbm>>, %arg3: memref<32x8x128xi32, #tpu.memory_space<hbm>>, %arg4: memref<32x8x128xi32, #tpu.memory_space<hbm>>, %arg5: memref<8192x128xf32, #tpu.memory_space<hbm>>, %arg6: memref<8x128xi32, #tpu.memory_space<vmem>>, %arg7: memref<8x128xi32, #tpu.memory_space<vmem>>, %arg8: memref<128x128xf32, #tpu.memory_space<vmem>>, %arg9: memref<128x128xf32, #tpu.memory_space<vmem>>, %arg10: memref<128x128xf32, #tpu.memory_space<vmem>>, %arg11: memref<128x128xf32, #tpu.memory_space<vmem>>, %arg12: memref<!tpu.dma_semaphore, #tpu.memory_space<semaphore_mem>>, %arg13: memref<!tpu.dma_semaphore, #tpu.memory_space<semaphore_mem>>, %arg14: memref<2176x128xf32, #tpu.memory_space<vmem_shared>>, %arg15: memref<2176x128xf32, #tpu.memory_space<vmem_shared>>) attributes {dimension_semantics = [#tpu.dimension_semantics<core_parallel>, #tpu.dimension_semantics<subcore_parallel>], iteration_bounds = array<i64: 2, 16>, scalar_prefetch = 0 : i64, scratch_operands = 10 : i64, tpu.core_type = #tpu.core_type<sc_vector_subcore>, window_params = [{transform_indices = #map}, {transform_indices = #map1}, {transform_indices = #map1}, {transform_indices = #map}]} {
    %mul3A = arith.constant 2 : i32
    %mul3A_0 = arith.muli %arg1, %mul3A : i32
    %add3A = arith.addi %mul3A_0, %arg0 : i32
    %scan3A = arith.constant 0 : i32
    %scan3A_1 = arith.constant 0 : i32
    %scan3A_2 = arith.constant 128 : i32
    %scan3A_3 = arith.addi %scan3A_1, %scan3A_2 : i32
    %scan3A_4 = arith.constant 1 : i32
    scf.for %scan3A_61 = %scan3A_1 to %scan3A_3 step %scan3A_4  : i32 {
      %broadcast_in_dim3A = arith.constant 0.000000e+00 : f32
      %broadcast_in_dim3A_62 = vector.broadcast %broadcast_in_dim3A : f32 to vector<16xf32>
      %swap3A = arith.index_cast %scan3A_61 : i32 to index
      %swap3A_63 = arith.constant 0 : index
      %swap3A_64 = tpu.vector_load %arg11[%swap3A, %swap3A_63] {strides = array<i32>} : memref<128x128xf32, #tpu.memory_space<vmem>>, vector<1x16xf32>,
      %swap3A_65 = vector.shape_cast %swap3A_64 : vector<1x16xf32> to vector<16xf32>
      %swap3A_66 = vector.shape_cast %broadcast_in_dim3A_62 : vector<16xf32> to vector<1x16xf32>
      tpu.vector_store %arg11[%swap3A, %swap3A_63], %swap3A_66 {strides = array<i32>} : memref<128x128xf32, #tpu.memory_space<vmem>>, vector<1x16xf32>,
      %broadcast_in_dim3A_67 = arith.constant 0.000000e+00 : f32
      %broadcast_in_dim3A_68 = vector.broadcast %broadcast_in_dim3A_67 : f32 to vector<16xf32>
      %swap3A_69 = arith.index_cast %scan3A_61 : i32 to index
      %swap3A_70 = arith.constant 16 : index
      %swap3A_71 = tpu.vector_load %arg11[%swap3A_69, %swap3A_70] {strides = array<i32>} : memref<128x128xf32, #tpu.memory_space<vmem>>, vector<1x16xf32>,
      %swap3A_72 = vector.shape_cast %swap3A_71 : vector<1x16xf32> to vector<16xf32>
      %swap3A_73 = vector.shape_cast %broadcast_in_dim3A_68 : vector<16xf32> to vector<1x16xf32>
      tpu.vector_store %arg11[%swap3A_69, %swap3A_70], %swap3A_73 {strides = array<i32>} : memref<128x128xf32, #tpu.memory_space<vmem>>, vector<1x16xf32>,
      %broadcast_in_dim3A_74 = arith.constant 0.000000e+00 : f32
      %broadcast_in_dim3A_75 = vector.broadcast %broadcast_in_dim3A_74 : f32 to vector<16xf32>
      %swap3A_76 = arith.index_cast %scan3A_61 : i32 to index
      %swap3A_77 = arith.constant 32 : index
      %swap3A_78 = tpu.vector_load %arg11[%swap3A_76, %swap3A_77] {strides = array<i32>} : memref<128x128xf32, #tpu.memory_space<vmem>>, vector<1x16xf32>,
      %swap3A_79 = vector.shape_cast %swap3A_78 : vector<1x16xf32> to vector<16xf32>
      %swap3A_80 = vector.shape_cast %broadcast_in_dim3A_75 : vector<16xf32> to vector<1x16xf32>
      tpu.vector_store %arg11[%swap3A_76, %swap3A_77], %swap3A_80 {strides = array<i32>} : memref<128x128xf32, #tpu.memory_space<vmem>>, vector<1x16xf32>,
      %broadcast_in_dim3A_81 = arith.constant 0.000000e+00 : f32
      %broadcast_in_dim3A_82 = vector.broadcast %broadcast_in_dim3A_81 : f32 to vector<16xf32>
      %swap3A_83 = arith.index_cast %scan3A_61 : i32 to index
      %swap3A_84 = arith.constant 48 : index
      %swap3A_85 = tpu.vector_load %arg11[%swap3A_83, %swap3A_84] {strides = array<i32>} : memref<128x128xf32, #tpu.memory_space<vmem>>, vector<1x16xf32>,
      %swap3A_86 = vector.shape_cast %swap3A_85 : vector<1x16xf32> to vector<16xf32>
      %swap3A_87 = vector.shape_cast %broadcast_in_dim3A_82 : vector<16xf32> to vector<1x16xf32>
      tpu.vector_store %arg11[%swap3A_83, %swap3A_84], %swap3A_87 {strides = array<i32>} : memref<128x128xf32, #tpu.memory_space<vmem>>, vector<1x16xf32>,
      %broadcast_in_dim3A_88 = arith.constant 0.000000e+00 : f32
      %broadcast_in_dim3A_89 = vector.broadcast %broadcast_in_dim3A_88 : f32 to vector<16xf32>
      %swap3A_90 = arith.index_cast %scan3A_61 : i32 to index
      %swap3A_91 = arith.constant 64 : index
      %swap3A_92 = tpu.vector_load %arg11[%swap3A_90, %swap3A_91] {strides = array<i32>} : memref<128x128xf32, #tpu.memory_space<vmem>>, vector<1x16xf32>,
      %swap3A_93 = vector.shape_cast %swap3A_92 : vector<1x16xf32> to vector<16xf32>
      %swap3A_94 = vector.shape_cast %broadcast_in_dim3A_89 : vector<16xf32> to vector<1x16xf32>
      tpu.vector_store %arg11[%swap3A_90, %swap3A_91], %swap3A_94 {strides = array<i32>} : memref<128x128xf32, #tpu.memory_space<vmem>>, vector<1x16xf32>,
      %broadcast_in_dim3A_95 = arith.constant 0.000000e+00 : f32
      %broadcast_in_dim3A_96 = vector.broadcast %broadcast_in_dim3A_95 : f32 to vector<16xf32>
      %swap3A_97 = arith.index_cast %scan3A_61 : i32 to index
      %swap3A_98 = arith.constant 80 : index
      %swap3A_99 = tpu.vector_load %arg11[%swap3A_97, %swap3A_98] {strides = array<i32>} : memref<128x128xf32, #tpu.memory_space<vmem>>, vector<1x16xf32>,
      %swap3A_100 = vector.shape_cast %swap3A_99 : vector<1x16xf32> to vector<16xf32>
      %swap3A_101 = vector.shape_cast %broadcast_in_dim3A_96 : vector<16xf32> to vector<1x16xf32>
      tpu.vector_store %arg11[%swap3A_97, %swap3A_98], %swap3A_101 {strides = array<i32>} : memref<128x128xf32, #tpu.memory_space<vmem>>, vector<1x16xf32>,
      %broadcast_in_dim3A_102 = arith.constant 0.000000e+00 : f32
      %broadcast_in_dim3A_103 = vector.broadcast %broadcast_in_dim3A_102 : f32 to vector<16xf32>
      %swap3A_104 = arith.index_cast %scan3A_61 : i32 to index
      %swap3A_105 = arith.constant 96 : index
      %swap3A_106 = tpu.vector_load %arg11[%swap3A_104, %swap3A_105] {strides = array<i32>} : memref<128x128xf32, #tpu.memory_space<vmem>>, vector<1x16xf32>,
      %swap3A_107 = vector.shape_cast %swap3A_106 : vector<1x16xf32> to vector<16xf32>
      %swap3A_108 = vector.shape_cast %broadcast_in_dim3A_103 : vector<16xf32> to vector<1x16xf32>
      tpu.vector_store %arg11[%swap3A_104, %swap3A_105], %swap3A_108 {strides = array<i32>} : memref<128x128xf32, #tpu.memory_space<vmem>>, vector<1x16xf32>,
      %broadcast_in_dim3A_109 = arith.constant 0.000000e+00 : f32
      %broadcast_in_dim3A_110 = vector.broadcast %broadcast_in_dim3A_109 : f32 to vector<16xf32>
      %swap3A_111 = arith.index_cast %scan3A_61 : i32 to index
      %swap3A_112 = arith.constant 112 : index
      %swap3A_113 = tpu.vector_load %arg11[%swap3A_111, %swap3A_112] {strides = array<i32>} : memref<128x128xf32, #tpu.memory_space<vmem>>, vector<1x16xf32>,
      %swap3A_114 = vector.shape_cast %swap3A_113 : vector<1x16xf32> to vector<16xf32>
      %swap3A_115 = vector.shape_cast %broadcast_in_dim3A_110 : vector<16xf32> to vector<1x16xf32>
      tpu.vector_store %arg11[%swap3A_111, %swap3A_112], %swap3A_115 {strides = array<i32>} : memref<128x128xf32, #tpu.memory_space<vmem>>, vector<1x16xf32>,
    }
    %scan3A_5 = arith.constant 128 : i32
    %scan3A_6 = arith.constant 0 : i32
    %scan3A_7 = arith.constant 0 : i32
    %scan3A_8 = arith.constant 128 : i32
    %scan3A_9 = arith.addi %scan3A_7, %scan3A_8 : i32
    %scan3A_10 = arith.constant 1 : i32
    scf.for %scan3A_61 = %scan3A_7 to %scan3A_9 step %scan3A_10  : i32 {
      %broadcast_in_dim3A = arith.constant 1.000000e+00 : f32
      %broadcast_in_dim3A_62 = vector.broadcast %broadcast_in_dim3A : f32 to vector<16xf32>
      %swap3A = arith.index_cast %scan3A_61 : i32 to index
      %swap3A_63 = arith.constant 0 : index
      %swap3A_64 = tpu.vector_load %arg10[%swap3A, %swap3A_63] {strides = array<i32>} : memref<128x128xf32, #tpu.memory_space<vmem>>, vector<1x16xf32>,
      %swap3A_65 = vector.shape_cast %swap3A_64 : vector<1x16xf32> to vector<16xf32>
      %swap3A_66 = vector.shape_cast %broadcast_in_dim3A_62 : vector<16xf32> to vector<1x16xf32>
      tpu.vector_store %arg10[%swap3A, %swap3A_63], %swap3A_66 {strides = array<i32>} : memref<128x128xf32, #tpu.memory_space<vmem>>, vector<1x16xf32>,
      %broadcast_in_dim3A_67 = arith.constant 1.000000e+00 : f32
      %broadcast_in_dim3A_68 = vector.broadcast %broadcast_in_dim3A_67 : f32 to vector<16xf32>
      %swap3A_69 = arith.index_cast %scan3A_61 : i32 to index
      %swap3A_70 = arith.constant 16 : index
      %swap3A_71 = tpu.vector_load %arg10[%swap3A_69, %swap3A_70] {strides = array<i32>} : memref<128x128xf32, #tpu.memory_space<vmem>>, vector<1x16xf32>,
      %swap3A_72 = vector.shape_cast %swap3A_71 : vector<1x16xf32> to vector<16xf32>
      %swap3A_73 = vector.shape_cast %broadcast_in_dim3A_68 : vector<16xf32> to vector<1x16xf32>
      tpu.vector_store %arg10[%swap3A_69, %swap3A_70], %swap3A_73 {strides = array<i32>} : memref<128x128xf32, #tpu.memory_space<vmem>>, vector<1x16xf32>,
      %broadcast_in_dim3A_74 = arith.constant 1.000000e+00 : f32
      %broadcast_in_dim3A_75 = vector.broadcast %broadcast_in_dim3A_74 : f32 to vector<16xf32>
      %swap3A_76 = arith.index_cast %scan3A_61 : i32 to index
      %swap3A_77 = arith.constant 32 : index
      %swap3A_78 = tpu.vector_load %arg10[%swap3A_76, %swap3A_77] {strides = array<i32>} : memref<128x128xf32, #tpu.memory_space<vmem>>, vector<1x16xf32>,
      %swap3A_79 = vector.shape_cast %swap3A_78 : vector<1x16xf32> to vector<16xf32>
      %swap3A_80 = vector.shape_cast %broadcast_in_dim3A_75 : vector<16xf32> to vector<1x16xf32>
      tpu.vector_store %arg10[%swap3A_76, %swap3A_77], %swap3A_80 {strides = array<i32>} : memref<128x128xf32, #tpu.memory_space<vmem>>, vector<1x16xf32>,
      %broadcast_in_dim3A_81 = arith.constant 1.000000e+00 : f32
      %broadcast_in_dim3A_82 = vector.broadcast %broadcast_in_dim3A_81 : f32 to vector<16xf32>
      %swap3A_83 = arith.index_cast %scan3A_61 : i32 to index
      %swap3A_84 = arith.constant 48 : index
      %swap3A_85 = tpu.vector_load %arg10[%swap3A_83, %swap3A_84] {strides = array<i32>} : memref<128x128xf32, #tpu.memory_space<vmem>>, vector<1x16xf32>,
      %swap3A_86 = vector.shape_cast %swap3A_85 : vector<1x16xf32> to vector<16xf32>
      %swap3A_87 = vector.shape_cast %broadcast_in_dim3A_82 : vector<16xf32> to vector<1x16xf32>
      tpu.vector_store %arg10[%swap3A_83, %swap3A_84], %swap3A_87 {strides = array<i32>} : memref<128x128xf32, #tpu.memory_space<vmem>>, vector<1x16xf32>,
      %broadcast_in_dim3A_88 = arith.constant 1.000000e+00 : f32
      %broadcast_in_dim3A_89 = vector.broadcast %broadcast_in_dim3A_88 : f32 to vector<16xf32>
      %swap3A_90 = arith.index_cast %scan3A_61 : i32 to index
      %swap3A_91 = arith.constant 64 : index
      %swap3A_92 = tpu.vector_load %arg10[%swap3A_90, %swap3A_91] {strides = array<i32>} : memref<128x128xf32, #tpu.memory_space<vmem>>, vector<1x16xf32>,
      %swap3A_93 = vector.shape_cast %swap3A_92 : vector<1x16xf32> to vector<16xf32>
      %swap3A_94 = vector.shape_cast %broadcast_in_dim3A_89 : vector<16xf32> to vector<1x16xf32>
      tpu.vector_store %arg10[%swap3A_90, %swap3A_91], %swap3A_94 {strides = array<i32>} : memref<128x128xf32, #tpu.memory_space<vmem>>, vector<1x16xf32>,
      %broadcast_in_dim3A_95 = arith.constant 1.000000e+00 : f32
      %broadcast_in_dim3A_96 = vector.broadcast %broadcast_in_dim3A_95 : f32 to vector<16xf32>
      %swap3A_97 = arith.index_cast %scan3A_61 : i32 to index
      %swap3A_98 = arith.constant 80 : index
      %swap3A_99 = tpu.vector_load %arg10[%swap3A_97, %swap3A_98] {strides = array<i32>} : memref<128x128xf32, #tpu.memory_space<vmem>>, vector<1x16xf32>,
      %swap3A_100 = vector.shape_cast %swap3A_99 : vector<1x16xf32> to vector<16xf32>
      %swap3A_101 = vector.shape_cast %broadcast_in_dim3A_96 : vector<16xf32> to vector<1x16xf32>
      tpu.vector_store %arg10[%swap3A_97, %swap3A_98], %swap3A_101 {strides = array<i32>} : memref<128x128xf32, #tpu.memory_space<vmem>>, vector<1x16xf32>,
      %broadcast_in_dim3A_102 = arith.constant 1.000000e+00 : f32
      %broadcast_in_dim3A_103 = vector.broadcast %broadcast_in_dim3A_102 : f32 to vector<16xf32>
      %swap3A_104 = arith.index_cast %scan3A_61 : i32 to index
      %swap3A_105 = arith.constant 96 : index
      %swap3A_106 = tpu.vector_load %arg10[%swap3A_104, %swap3A_105] {strides = array<i32>} : memref<128x128xf32, #tpu.memory_space<vmem>>, vector<1x16xf32>,
      %swap3A_107 = vector.shape_cast %swap3A_106 : vector<1x16xf32> to vector<16xf32>
      %swap3A_108 = vector.shape_cast %broadcast_in_dim3A_103 : vector<16xf32> to vector<1x16xf32>
      tpu.vector_store %arg10[%swap3A_104, %swap3A_105], %swap3A_108 {strides = array<i32>} : memref<128x128xf32, #tpu.memory_space<vmem>>, vector<1x16xf32>,
      %broadcast_in_dim3A_109 = arith.constant 1.000000e+00 : f32
      %broadcast_in_dim3A_110 = vector.broadcast %broadcast_in_dim3A_109 : f32 to vector<16xf32>
      %swap3A_111 = arith.index_cast %scan3A_61 : i32 to index
      %swap3A_112 = arith.constant 112 : index
      %swap3A_113 = tpu.vector_load %arg10[%swap3A_111, %swap3A_112] {strides = array<i32>} : memref<128x128xf32, #tpu.memory_space<vmem>>, vector<1x16xf32>,
      %swap3A_114 = vector.shape_cast %swap3A_113 : vector<1x16xf32> to vector<16xf32>
      %swap3A_115 = vector.shape_cast %broadcast_in_dim3A_110 : vector<16xf32> to vector<1x16xf32>
      tpu.vector_store %arg10[%swap3A_111, %swap3A_112], %swap3A_115 {strides = array<i32>} : memref<128x128xf32, #tpu.memory_space<vmem>>, vector<1x16xf32>,
    }
    %scan3A_11 = arith.constant 128 : i32
    "tpu.region"() ({
      %run_scoped3A = tpu.sem_alloc : memref<!tpu.dma_semaphore, #tpu.memory_space<semaphore_mem>>
      %dma_start3A_61 = arith.constant 0 : i32
      %dma_start3A_62 = arith.constant 0 : i32
      %dma_start3A_63 = tpu.memref_slice %arg3[%add3A, %dma_start3A_61, %dma_start3A_62] : memref<32x8x128xi32, #tpu.memory_space<hbm>> -> memref<1x8x128xi32, #tpu.memory_space<hbm>>
      %dma_start3A_64 = tpu.memref_squeeze %dma_start3A_63 : memref<1x8x128xi32, #tpu.memory_space<hbm>> -> memref<8x128xi32, #tpu.memory_space<hbm>>
      %dma_start3A_65 = arith.constant 0 : i32
      %dma_start3A_66 = arith.constant 0 : i32
      %dma_start3A_67 = tpu.memref_slice %arg3[%add3A, %dma_start3A_65, %dma_start3A_66] : memref<32x8x128xi32, #tpu.memory_space<hbm>> -> memref<1x8x128xi32, #tpu.memory_space<hbm>>
      %dma_start3A_68 = tpu.memref_squeeze %dma_start3A_67 : memref<1x8x128xi32, #tpu.memory_space<hbm>> -> memref<8x128xi32, #tpu.memory_space<hbm>>
      tpu.enqueue_dma source(%dma_start3A_68 : memref<8x128xi32, #tpu.memory_space<hbm>>) target(%arg6 : memref<8x128xi32, #tpu.memory_space<vmem>>) target_semaphore(%run_scoped3A : memref<!tpu.dma_semaphore, #tpu.memory_space<semaphore_mem>>)
      %dma_wait3A = arith.constant 0 : i32
      %dma_wait3A_69 = arith.constant 0 : i32
      %dma_wait3A_70 = tpu.memref_slice %arg3[%add3A, %dma_wait3A, %dma_wait3A_69] : memref<32x8x128xi32, #tpu.memory_space<hbm>> -> memref<1x8x128xi32, #tpu.memory_space<hbm>>
      %dma_wait3A_71 = tpu.memref_squeeze %dma_wait3A_70 : memref<1x8x128xi32, #tpu.memory_space<hbm>> -> memref<8x128xi32, #tpu.memory_space<hbm>>
      %dma_wait3A_72 = arith.constant 0 : i32
      %dma_wait3A_73 = arith.constant 0 : i32
      %dma_wait3A_74 = tpu.memref_slice %arg3[%add3A, %dma_wait3A_72, %dma_wait3A_73] : memref<32x8x128xi32, #tpu.memory_space<hbm>> -> memref<1x8x128xi32, #tpu.memory_space<hbm>>
      %dma_wait3A_75 = tpu.memref_squeeze %dma_wait3A_74 : memref<1x8x128xi32, #tpu.memory_space<hbm>> -> memref<8x128xi32, #tpu.memory_space<hbm>>
      tpu.wait_dma2 semaphore(%run_scoped3A : memref<!tpu.dma_semaphore, #tpu.memory_space<semaphore_mem>>) src(%dma_wait3A_75 : memref<8x128xi32, #tpu.memory_space<hbm>>) dst(%arg6 : memref<8x128xi32, #tpu.memory_space<vmem>>)
      tpu.yield
    }) : () -> ()
    %mul3A_12 = arith.constant 136 : i32
    %mul3A_13 = arith.muli %arg1, %mul3A_12 : i32
    %add3A_14 = arith.constant 0 : i32
    %add3A_15 = arith.addi %mul3A_13, %add3A_14 : i32
    "tpu.region"() ({
      %run_scoped3A = tpu.sem_alloc : memref<!tpu.dma_semaphore, #tpu.memory_space<semaphore_mem>>
      %dma_start3A_61 = arith.constant 0 : i32
      %dma_start3A_62 = arith.constant 0 : i32
      %dma_start3A_63 = tpu.memref_slice %arg11[%dma_start3A_61, %dma_start3A_62] : memref<128x128xf32, #tpu.memory_space<vmem>> -> memref<128x128xf32, #tpu.memory_space<vmem>>
      %dma_start3A_64 = arith.constant 0 : i32
      %dma_start3A_65 = tpu.memref_slice %arg14[%add3A_15, %dma_start3A_64] : memref<2176x128xf32, #tpu.memory_space<vmem_shared>> -> memref<128x128xf32, #tpu.memory_space<vmem_shared>>
      %dma_start3A_66 = arith.constant 0 : i32
      %dma_start3A_67 = tpu.memref_slice %arg14[%add3A_15, %dma_start3A_66] : memref<2176x128xf32, #tpu.memory_space<vmem_shared>> -> memref<128x128xf32, #tpu.memory_space<vmem_shared>>
      %dma_start3A_68 = arith.constant 0 : i32
      %dma_start3A_69 = arith.constant 0 : i32
      %dma_start3A_70 = tpu.memref_slice %arg11[%dma_start3A_68, %dma_start3A_69] : memref<128x128xf32, #tpu.memory_space<vmem>> -> memref<128x128xf32, #tpu.memory_space<vmem>>
      tpu.enqueue_dma source(%dma_start3A_70 : memref<128x128xf32, #tpu.memory_space<vmem>>) target(%dma_start3A_67 : memref<128x128xf32, #tpu.memory_space<vmem_shared>>) target_semaphore(%run_scoped3A : memref<!tpu.dma_semaphore, #tpu.memory_space<semaphore_mem>>)
      %dma_wait3A = arith.constant 0 : i32
      %dma_wait3A_71 = arith.constant 0 : i32
      %dma_wait3A_72 = tpu.memref_slice %arg11[%dma_wait3A, %dma_wait3A_71] : memref<128x128xf32, #tpu.memory_space<vmem>> -> memref<128x128xf32, #tpu.memory_space<vmem>>
      %dma_wait3A_73 = arith.constant 0 : i32
      %dma_wait3A_74 = tpu.memref_slice %arg14[%add3A_15, %dma_wait3A_73] : memref<2176x128xf32, #tpu.memory_space<vmem_shared>> -> memref<128x128xf32, #tpu.memory_space<vmem_shared>>
      %dma_wait3A_75 = arith.constant 0 : i32
      %dma_wait3A_76 = tpu.memref_slice %arg14[%add3A_15, %dma_wait3A_75] : memref<2176x128xf32, #tpu.memory_space<vmem_shared>> -> memref<128x128xf32, #tpu.memory_space<vmem_shared>>
      %dma_wait3A_77 = arith.constant 0 : i32
      %dma_wait3A_78 = arith.constant 0 : i32
      %dma_wait3A_79 = tpu.memref_slice %arg11[%dma_wait3A_77, %dma_wait3A_78] : memref<128x128xf32, #tpu.memory_space<vmem>> -> memref<128x128xf32, #tpu.memory_space<vmem>>
      tpu.wait_dma2 semaphore(%run_scoped3A : memref<!tpu.dma_semaphore, #tpu.memory_space<semaphore_mem>>) src(%dma_wait3A_79 : memref<128x128xf32, #tpu.memory_space<vmem>>) dst(%dma_wait3A_76 : memref<128x128xf32, #tpu.memory_space<vmem_shared>>)
      tpu.yield
    }) : () -> ()
    %add3A_16 = arith.constant 128 : i32
    %add3A_17 = arith.addi %mul3A_13, %add3A_16 : i32
    "tpu.region"() ({
      %run_scoped3A = tpu.sem_alloc : memref<!tpu.dma_semaphore, #tpu.memory_space<semaphore_mem>>
      %dma_start3A_61 = arith.constant 0 : i32
      %dma_start3A_62 = arith.constant 0 : i32
      %dma_start3A_63 = tpu.memref_slice %arg11[%dma_start3A_61, %dma_start3A_62] : memref<128x128xf32, #tpu.memory_space<vmem>> -> memref<8x128xf32, #tpu.memory_space<vmem>>
      %dma_start3A_64 = arith.constant 0 : i32
      %dma_start3A_65 = tpu.memref_slice %arg14[%add3A_17, %dma_start3A_64] : memref<2176x128xf32, #tpu.memory_space<vmem_shared>> -> memref<8x128xf32, #tpu.memory_space<vmem_shared>>
      %dma_start3A_66 = arith.constant 0 : i32
      %dma_start3A_67 = tpu.memref_slice %arg14[%add3A_17, %dma_start3A_66] : memref<2176x128xf32, #tpu.memory_space<vmem_shared>> -> memref<8x128xf32, #tpu.memory_space<vmem_shared>>
      %dma_start3A_68 = arith.constant 0 : i32
      %dma_start3A_69 = arith.constant 0 : i32
      %dma_start3A_70 = tpu.memref_slice %arg11[%dma_start3A_68, %dma_start3A_69] : memref<128x128xf32, #tpu.memory_space<vmem>> -> memref<8x128xf32, #tpu.memory_space<vmem>>
      tpu.enqueue_dma source(%dma_start3A_70 : memref<8x128xf32, #tpu.memory_space<vmem>>) target(%dma_start3A_67 : memref<8x128xf32, #tpu.memory_space<vmem_shared>>) target_semaphore(%run_scoped3A : memref<!tpu.dma_semaphore, #tpu.memory_space<semaphore_mem>>)
      %dma_wait3A = arith.constant 0 : i32
      %dma_wait3A_71 = arith.constant 0 : i32
      %dma_wait3A_72 = tpu.memref_slice %arg11[%dma_wait3A, %dma_wait3A_71] : memref<128x128xf32, #tpu.memory_space<vmem>> -> memref<8x128xf32, #tpu.memory_space<vmem>>
      %dma_wait3A_73 = arith.constant 0 : i32
      %dma_wait3A_74 = tpu.memref_slice %arg14[%add3A_17, %dma_wait3A_73] : memref<2176x128xf32, #tpu.memory_space<vmem_shared>> -> memref<8x128xf32, #tpu.memory_space<vmem_shared>>
      %dma_wait3A_75 = arith.constant 0 : i32
      %dma_wait3A_76 = tpu.memref_slice %arg14[%add3A_17, %dma_wait3A_75] : memref<2176x128xf32, #tpu.memory_space<vmem_shared>> -> memref<8x128xf32, #tpu.memory_space<vmem_shared>>
      %dma_wait3A_77 = arith.constant 0 : i32
      %dma_wait3A_78 = arith.constant 0 : i32
      %dma_wait3A_79 = tpu.memref_slice %arg11[%dma_wait3A_77, %dma_wait3A_78] : memref<128x128xf32, #tpu.memory_space<vmem>> -> memref<8x128xf32, #tpu.memory_space<vmem>>
      tpu.wait_dma2 semaphore(%run_scoped3A : memref<!tpu.dma_semaphore, #tpu.memory_space<semaphore_mem>>) src(%dma_wait3A_79 : memref<8x128xf32, #tpu.memory_space<vmem>>) dst(%dma_wait3A_76 : memref<8x128xf32, #tpu.memory_space<vmem_shared>>)
      tpu.yield
    }) : () -> ()
    %mul3A_18 = arith.constant 136 : i32
    %mul3A_19 = arith.muli %arg1, %mul3A_18 : i32
    %add3A_20 = arith.constant 0 : i32
    %add3A_21 = arith.addi %mul3A_19, %add3A_20 : i32
    "tpu.region"() ({
      %run_scoped3A = tpu.sem_alloc : memref<!tpu.dma_semaphore, #tpu.memory_space<semaphore_mem>>
      %dma_start3A_61 = arith.constant 0 : i32
      %dma_start3A_62 = arith.constant 0 : i32
      %dma_start3A_63 = tpu.memref_slice %arg11[%dma_start3A_61, %dma_start3A_62] : memref<128x128xf32, #tpu.memory_space<vmem>> -> memref<128x128xf32, #tpu.memory_space<vmem>>
      %dma_start3A_64 = arith.constant 0 : i32
      %dma_start3A_65 = tpu.memref_slice %arg15[%add3A_21, %dma_start3A_64] : memref<2176x128xf32, #tpu.memory_space<vmem_shared>> -> memref<128x128xf32, #tpu.memory_space<vmem_shared>>
      %dma_start3A_66 = arith.constant 0 : i32
      %dma_start3A_67 = tpu.memref_slice %arg15[%add3A_21, %dma_start3A_66] : memref<2176x128xf32, #tpu.memory_space<vmem_shared>> -> memref<128x128xf32, #tpu.memory_space<vmem_shared>>
      %dma_start3A_68 = arith.constant 0 : i32
      %dma_start3A_69 = arith.constant 0 : i32
      %dma_start3A_70 = tpu.memref_slice %arg11[%dma_start3A_68, %dma_start3A_69] : memref<128x128xf32, #tpu.memory_space<vmem>> -> memref<128x128xf32, #tpu.memory_space<vmem>>
      tpu.enqueue_dma source(%dma_start3A_70 : memref<128x128xf32, #tpu.memory_space<vmem>>) target(%dma_start3A_67 : memref<128x128xf32, #tpu.memory_space<vmem_shared>>) target_semaphore(%run_scoped3A : memref<!tpu.dma_semaphore, #tpu.memory_space<semaphore_mem>>)
      %dma_wait3A = arith.constant 0 : i32
      %dma_wait3A_71 = arith.constant 0 : i32
      %dma_wait3A_72 = tpu.memref_slice %arg11[%dma_wait3A, %dma_wait3A_71] : memref<128x128xf32, #tpu.memory_space<vmem>> -> memref<128x128xf32, #tpu.memory_space<vmem>>
      %dma_wait3A_73 = arith.constant 0 : i32
      %dma_wait3A_74 = tpu.memref_slice %arg15[%add3A_21, %dma_wait3A_73] : memref<2176x128xf32, #tpu.memory_space<vmem_shared>> -> memref<128x128xf32, #tpu.memory_space<vmem_shared>>
      %dma_wait3A_75 = arith.constant 0 : i32
      %dma_wait3A_76 = tpu.memref_slice %arg15[%add3A_21, %dma_wait3A_75] : memref<2176x128xf32, #tpu.memory_space<vmem_shared>> -> memref<128x128xf32, #tpu.memory_space<vmem_shared>>
      %dma_wait3A_77 = arith.constant 0 : i32
      %dma_wait3A_78 = arith.constant 0 : i32
      %dma_wait3A_79 = tpu.memref_slice %arg11[%dma_wait3A_77, %dma_wait3A_78] : memref<128x128xf32, #tpu.memory_space<vmem>> -> memref<128x128xf32, #tpu.memory_space<vmem>>
      tpu.wait_dma2 semaphore(%run_scoped3A : memref<!tpu.dma_semaphore, #tpu.memory_space<semaphore_mem>>) src(%dma_wait3A_79 : memref<128x128xf32, #tpu.memory_space<vmem>>) dst(%dma_wait3A_76 : memref<128x128xf32, #tpu.memory_space<vmem_shared>>)
      tpu.yield
    }) : () -> ()
    %add3A_22 = arith.constant 128 : i32
    %add3A_23 = arith.addi %mul3A_19, %add3A_22 : i32
    "tpu.region"() ({
      %run_scoped3A = tpu.sem_alloc : memref<!tpu.dma_semaphore, #tpu.memory_space<semaphore_mem>>
      %dma_start3A_61 = arith.constant 0 : i32
      %dma_start3A_62 = arith.constant 0 : i32
      %dma_start3A_63 = tpu.memref_slice %arg11[%dma_start3A_61, %dma_start3A_62] : memref<128x128xf32, #tpu.memory_space<vmem>> -> memref<8x128xf32, #tpu.memory_space<vmem>>
      %dma_start3A_64 = arith.constant 0 : i32
      %dma_start3A_65 = tpu.memref_slice %arg15[%add3A_23, %dma_start3A_64] : memref<2176x128xf32, #tpu.memory_space<vmem_shared>> -> memref<8x128xf32, #tpu.memory_space<vmem_shared>>
      %dma_start3A_66 = arith.constant 0 : i32
      %dma_start3A_67 = tpu.memref_slice %arg15[%add3A_23, %dma_start3A_66] : memref<2176x128xf32, #tpu.memory_space<vmem_shared>> -> memref<8x128xf32, #tpu.memory_space<vmem_shared>>
      %dma_start3A_68 = arith.constant 0 : i32
      %dma_start3A_69 = arith.constant 0 : i32
      %dma_start3A_70 = tpu.memref_slice %arg11[%dma_start3A_68, %dma_start3A_69] : memref<128x128xf32, #tpu.memory_space<vmem>> -> memref<8x128xf32, #tpu.memory_space<vmem>>
      tpu.enqueue_dma source(%dma_start3A_70 : memref<8x128xf32, #tpu.memory_space<vmem>>) target(%dma_start3A_67 : memref<8x128xf32, #tpu.memory_space<vmem_shared>>) target_semaphore(%run_scoped3A : memref<!tpu.dma_semaphore, #tpu.memory_space<semaphore_mem>>)
      %dma_wait3A = arith.constant 0 : i32
      %dma_wait3A_71 = arith.constant 0 : i32
      %dma_wait3A_72 = tpu.memref_slice %arg11[%dma_wait3A, %dma_wait3A_71] : memref<128x128xf32, #tpu.memory_space<vmem>> -> memref<8x128xf32, #tpu.memory_space<vmem>>
      %dma_wait3A_73 = arith.constant 0 : i32
      %dma_wait3A_74 = tpu.memref_slice %arg15[%add3A_23, %dma_wait3A_73] : memref<2176x128xf32, #tpu.memory_space<vmem_shared>> -> memref<8x128xf32, #tpu.memory_space<vmem_shared>>
      %dma_wait3A_75 = arith.constant 0 : i32
      %dma_wait3A_76 = tpu.memref_slice %arg15[%add3A_23, %dma_wait3A_75] : memref<2176x128xf32, #tpu.memory_space<vmem_shared>> -> memref<8x128xf32, #tpu.memory_space<vmem_shared>>
      %dma_wait3A_77 = arith.constant 0 : i32
      %dma_wait3A_78 = arith.constant 0 : i32
      %dma_wait3A_79 = tpu.memref_slice %arg11[%dma_wait3A_77, %dma_wait3A_78] : memref<128x128xf32, #tpu.memory_space<vmem>> -> memref<8x128xf32, #tpu.memory_space<vmem>>
      tpu.wait_dma2 semaphore(%run_scoped3A : memref<!tpu.dma_semaphore, #tpu.memory_space<semaphore_mem>>) src(%dma_wait3A_79 : memref<8x128xf32, #tpu.memory_space<vmem>>) dst(%dma_wait3A_76 : memref<8x128xf32, #tpu.memory_space<vmem_shared>>)
      tpu.yield
    }) : () -> ()
    %add3A_24 = arith.constant 0 : i32
    %add3A_25 = arith.addi %add3A_24, %add3A : i32
    "tpu.region"() ({
      %run_scoped3A = tpu.sem_alloc : memref<!tpu.dma_semaphore, #tpu.memory_space<semaphore_mem>>
      %dma_start3A_61 = arith.constant 0 : i32
      %dma_start3A_62 = arith.constant 0 : i32
      %dma_start3A_63 = tpu.memref_slice %arg4[%add3A_25, %dma_start3A_61, %dma_start3A_62] : memref<32x8x128xi32, #tpu.memory_space<hbm>> -> memref<1x8x128xi32, #tpu.memory_space<hbm>>
      %dma_start3A_64 = tpu.memref_squeeze %dma_start3A_63 : memref<1x8x128xi32, #tpu.memory_space<hbm>> -> memref<8x128xi32, #tpu.memory_space<hbm>>
      %dma_start3A_65 = arith.constant 0 : i32
      %dma_start3A_66 = arith.constant 0 : i32
      %dma_start3A_67 = tpu.memref_slice %arg4[%add3A_25, %dma_start3A_65, %dma_start3A_66] : memref<32x8x128xi32, #tpu.memory_space<hbm>> -> memref<1x8x128xi32, #tpu.memory_space<hbm>>
      %dma_start3A_68 = tpu.memref_squeeze %dma_start3A_67 : memref<1x8x128xi32, #tpu.memory_space<hbm>> -> memref<8x128xi32, #tpu.memory_space<hbm>>
      tpu.enqueue_dma source(%dma_start3A_68 : memref<8x128xi32, #tpu.memory_space<hbm>>) target(%arg7 : memref<8x128xi32, #tpu.memory_space<vmem>>) target_semaphore(%run_scoped3A : memref<!tpu.dma_semaphore, #tpu.memory_space<semaphore_mem>>)
      %dma_wait3A = arith.constant 0 : i32
      %dma_wait3A_69 = arith.constant 0 : i32
      %dma_wait3A_70 = tpu.memref_slice %arg4[%add3A_25, %dma_wait3A, %dma_wait3A_69] : memref<32x8x128xi32, #tpu.memory_space<hbm>> -> memref<1x8x128xi32, #tpu.memory_space<hbm>>
      %dma_wait3A_71 = tpu.memref_squeeze %dma_wait3A_70 : memref<1x8x128xi32, #tpu.memory_space<hbm>> -> memref<8x128xi32, #tpu.memory_space<hbm>>
      %dma_wait3A_72 = arith.constant 0 : i32
      %dma_wait3A_73 = arith.constant 0 : i32
      %dma_wait3A_74 = tpu.memref_slice %arg4[%add3A_25, %dma_wait3A_72, %dma_wait3A_73] : memref<32x8x128xi32, #tpu.memory_space<hbm>> -> memref<1x8x128xi32, #tpu.memory_space<hbm>>
      %dma_wait3A_75 = tpu.memref_squeeze %dma_wait3A_74 : memref<1x8x128xi32, #tpu.memory_space<hbm>> -> memref<8x128xi32, #tpu.memory_space<hbm>>
      tpu.wait_dma2 semaphore(%run_scoped3A : memref<!tpu.dma_semaphore, #tpu.memory_space<semaphore_mem>>) src(%dma_wait3A_75 : memref<8x128xi32, #tpu.memory_space<hbm>>) dst(%arg7 : memref<8x128xi32, #tpu.memory_space<vmem>>)
      tpu.yield
    }) : () -> ()
    %barrier3A = arith.constant 0 : index
    tpu.barrier barrier_id(%barrier3A)
    %dma_start3A = arith.constant 0 : i32
    %dma_start3A_26 = arith.constant 0 : i32
    %dma_start3A_27 = tpu.memref_slice %arg6[%dma_start3A, %dma_start3A_26] : memref<8x128xi32, #tpu.memory_space<vmem>> -> memref<1x128xi32, #tpu.memory_space<vmem>>
    %dma_start3A_28 = tpu.memref_squeeze %dma_start3A_27 : memref<1x128xi32, #tpu.memory_space<vmem>> -> memref<128xi32, #tpu.memory_space<vmem>>
    %dma_start3A_29 = arith.constant 0 : i32
    %dma_start3A_30 = arith.constant 0 : i32
    %dma_start3A_31 = tpu.memref_slice %arg2[%dma_start3A_29, %dma_start3A_30] : memref<10240x128xf32, #tpu.memory_space<hbm>> -> memref<10240x128xf32, #tpu.memory_space<hbm>>
    tpu.enqueue_indirect_dma source(%dma_start3A_31 : memref<10240x128xf32, #tpu.memory_space<hbm>>) target(%arg8 : memref<128x128xf32, #tpu.memory_space<vmem>>) offsets(%dma_start3A_28 : memref<128xi32, #tpu.memory_space<vmem>>) semaphore(%arg12 : memref<!tpu.dma_semaphore, #tpu.memory_space<semaphore_mem>>)
    %scan3A_32 = arith.constant 0 : i32
    %scan3A_33 = arith.constant 0 : i32
    %scan3A_34 = arith.constant 4 : i32
    %scan3A_35 = arith.addi %scan3A_33, %scan3A_34 : i32
    %scan3A_36 = arith.constant 1 : i32
    scf.for %scan3A_61 = %scan3A_33 to %scan3A_35 step %scan3A_36  : i32 {
      %mul3A_62 = arith.constant 2 : i32
      %mul3A_63 = arith.muli %mul3A_62, %scan3A_61 : i32
      %add3A_64 = arith.constant 1 : i32
      %add3A_65 = arith.addi %mul3A_63, %add3A_64 : i32
      %dma_start3A_66 = arith.constant 0 : i32
      %dma_start3A_67 = tpu.memref_slice %arg6[%add3A_65, %dma_start3A_66] : memref<8x128xi32, #tpu.memory_space<vmem>> -> memref<1x128xi32, #tpu.memory_space<vmem>>
      %dma_start3A_68 = tpu.memref_squeeze %dma_start3A_67 : memref<1x128xi32, #tpu.memory_space<vmem>> -> memref<128xi32, #tpu.memory_space<vmem>>
      %dma_start3A_69 = arith.constant 0 : i32
      %dma_start3A_70 = arith.constant 0 : i32
      %dma_start3A_71 = tpu.memref_slice %arg2[%dma_start3A_69, %dma_start3A_70] : memref<10240x128xf32, #tpu.memory_space<hbm>> -> memref<10240x128xf32, #tpu.memory_space<hbm>>
      tpu.enqueue_indirect_dma source(%dma_start3A_71 : memref<10240x128xf32, #tpu.memory_space<hbm>>) target(%arg9 : memref<128x128xf32, #tpu.memory_space<vmem>>) offsets(%dma_start3A_68 : memref<128xi32, #tpu.memory_space<vmem>>) semaphore(%arg13 : memref<!tpu.dma_semaphore, #tpu.memory_space<semaphore_mem>>)
      %dma_wait3A = arith.constant 0 : i32
      %dma_wait3A_72 = arith.constant 0 : i32
      %dma_wait3A_73 = tpu.memref_slice %arg6[%dma_wait3A, %dma_wait3A_72] : memref<8x128xi32, #tpu.memory_space<vmem>> -> memref<1x128xi32, #tpu.memory_space<vmem>>
      %dma_wait3A_74 = tpu.memref_squeeze %dma_wait3A_73 : memref<1x128xi32, #tpu.memory_space<vmem>> -> memref<128xi32, #tpu.memory_space<vmem>>
      %dma_wait3A_75 = arith.constant 0 : i32
      %dma_wait3A_76 = arith.constant 0 : i32
      %dma_wait3A_77 = tpu.memref_slice %arg2[%dma_wait3A_75, %dma_wait3A_76] : memref<10240x128xf32, #tpu.memory_space<hbm>> -> memref<10240x128xf32, #tpu.memory_space<hbm>>
      tpu.wait_indirect_dma semaphore(%arg12 : memref<!tpu.dma_semaphore, #tpu.memory_space<semaphore_mem>>) src(%dma_wait3A_77 : memref<10240x128xf32, #tpu.memory_space<hbm>>) dst(%arg8 : memref<128x128xf32, #tpu.memory_space<vmem>>)
      "tpu.region"() ({
        %run_scoped3A = tpu.sem_alloc : memref<!tpu.dma_semaphore, #tpu.memory_space<semaphore_mem>>
        %dma_start3A_93 = arith.constant 0 : i32
        %dma_start3A_94 = tpu.memref_slice %arg7[%mul3A_63, %dma_start3A_93] : memref<8x128xi32, #tpu.memory_space<vmem>> -> memref<1x128xi32, #tpu.memory_space<vmem>>
        %dma_start3A_95 = tpu.memref_squeeze %dma_start3A_94 : memref<1x128xi32, #tpu.memory_space<vmem>> -> memref<128xi32, #tpu.memory_space<vmem>>
        %dma_start3A_96 = arith.constant 0 : i32
        %dma_start3A_97 = arith.constant 0 : i32
        %dma_start3A_98 = tpu.memref_slice %arg14[%dma_start3A_96, %dma_start3A_97] : memref<2176x128xf32, #tpu.memory_space<vmem_shared>> -> memref<2176x128xf32, #tpu.memory_space<vmem_shared>>
        tpu.enqueue_indirect_dma source(%arg8 : memref<128x128xf32, #tpu.memory_space<vmem>>) target(%dma_start3A_98 : memref<2176x128xf32, #tpu.memory_space<vmem_shared>>) offsets(%dma_start3A_95 : memref<128xi32, #tpu.memory_space<vmem>>) semaphore(%run_scoped3A : memref<!tpu.dma_semaphore, #tpu.memory_space<semaphore_mem>>) {add = true}
        %dma_wait3A_99 = arith.constant 0 : i32
        %dma_wait3A_100 = tpu.memref_slice %arg7[%mul3A_63, %dma_wait3A_99] : memref<8x128xi32, #tpu.memory_space<vmem>> -> memref<1x128xi32, #tpu.memory_space<vmem>>
        %dma_wait3A_101 = tpu.memref_squeeze %dma_wait3A_100 : memref<1x128xi32, #tpu.memory_space<vmem>> -> memref<128xi32, #tpu.memory_space<vmem>>
        %dma_wait3A_102 = arith.constant 0 : i32
        %dma_wait3A_103 = arith.constant 0 : i32
        %dma_wait3A_104 = tpu.memref_slice %arg14[%dma_wait3A_102, %dma_wait3A_103] : memref<2176x128xf32, #tpu.memory_space<vmem_shared>> -> memref<2176x128xf32, #tpu.memory_space<vmem_shared>>
        tpu.wait_indirect_dma semaphore(%run_scoped3A : memref<!tpu.dma_semaphore, #tpu.memory_space<semaphore_mem>>) src(%arg8 : memref<128x128xf32, #tpu.memory_space<vmem>>) dst(%dma_wait3A_104 : memref<2176x128xf32, #tpu.memory_space<vmem_shared>>)
        tpu.yield
      }) : () -> ()
      "tpu.region"() ({
        %run_scoped3A = tpu.sem_alloc : memref<!tpu.dma_semaphore, #tpu.memory_space<semaphore_mem>>
        %dma_start3A_93 = arith.constant 0 : i32
        %dma_start3A_94 = tpu.memref_slice %arg7[%mul3A_63, %dma_start3A_93] : memref<8x128xi32, #tpu.memory_space<vmem>> -> memref<1x128xi32, #tpu.memory_space<vmem>>
        %dma_start3A_95 = tpu.memref_squeeze %dma_start3A_94 : memref<1x128xi32, #tpu.memory_space<vmem>> -> memref<128xi32, #tpu.memory_space<vmem>>
        %dma_start3A_96 = arith.constant 0 : i32
        %dma_start3A_97 = arith.constant 0 : i32
        %dma_start3A_98 = tpu.memref_slice %arg15[%dma_start3A_96, %dma_start3A_97] : memref<2176x128xf32, #tpu.memory_space<vmem_shared>> -> memref<2176x128xf32, #tpu.memory_space<vmem_shared>>
        tpu.enqueue_indirect_dma source(%arg10 : memref<128x128xf32, #tpu.memory_space<vmem>>) target(%dma_start3A_98 : memref<2176x128xf32, #tpu.memory_space<vmem_shared>>) offsets(%dma_start3A_95 : memref<128xi32, #tpu.memory_space<vmem>>) semaphore(%run_scoped3A : memref<!tpu.dma_semaphore, #tpu.memory_space<semaphore_mem>>) {add = true}
        %dma_wait3A_99 = arith.constant 0 : i32
        %dma_wait3A_100 = tpu.memref_slice %arg7[%mul3A_63, %dma_wait3A_99] : memref<8x128xi32, #tpu.memory_space<vmem>> -> memref<1x128xi32, #tpu.memory_space<vmem>>
        %dma_wait3A_101 = tpu.memref_squeeze %dma_wait3A_100 : memref<1x128xi32, #tpu.memory_space<vmem>> -> memref<128xi32, #tpu.memory_space<vmem>>
        %dma_wait3A_102 = arith.constant 0 : i32
        %dma_wait3A_103 = arith.constant 0 : i32
        %dma_wait3A_104 = tpu.memref_slice %arg15[%dma_wait3A_102, %dma_wait3A_103] : memref<2176x128xf32, #tpu.memory_space<vmem_shared>> -> memref<2176x128xf32, #tpu.memory_space<vmem_shared>>
        tpu.wait_indirect_dma semaphore(%run_scoped3A : memref<!tpu.dma_semaphore, #tpu.memory_space<semaphore_mem>>) src(%arg10 : memref<128x128xf32, #tpu.memory_space<vmem>>) dst(%dma_wait3A_104 : memref<2176x128xf32, #tpu.memory_space<vmem_shared>>)
        tpu.yield
      }) : () -> ()
      %add3A_78 = arith.constant 1 : i32
      %add3A_79 = arith.addi %scan3A_61, %add3A_78 : i32
      %lt3A = arith.constant 4 : i32
      %lt3A_80 = arith.cmpi slt, %add3A_79, %lt3A : i32
      %convert_element_type3A = arith.extui %lt3A_80 : i1 to i32
      %cond3A = arith.constant 0 : i32
      %cond3A_81 = arith.cmpi ne, %convert_element_type3A, %cond3A : i32
      scf.if %cond3A_81 {
        %add3A_93 = arith.constant 2 : i32
        %add3A_94 = arith.addi %mul3A_63, %add3A_93 : i32
        %dma_start3A_95 = arith.constant 0 : i32
        %dma_start3A_96 = tpu.memref_slice %arg6[%add3A_94, %dma_start3A_95] : memref<8x128xi32, #tpu.memory_space<vmem>> -> memref<1x128xi32, #tpu.memory_space<vmem>>
        %dma_start3A_97 = tpu.memref_squeeze %dma_start3A_96 : memref<1x128xi32, #tpu.memory_space<vmem>> -> memref<128xi32, #tpu.memory_space<vmem>>
        %dma_start3A_98 = arith.constant 0 : i32
        %dma_start3A_99 = arith.constant 0 : i32
        %dma_start3A_100 = tpu.memref_slice %arg2[%dma_start3A_98, %dma_start3A_99] : memref<10240x128xf32, #tpu.memory_space<hbm>> -> memref<10240x128xf32, #tpu.memory_space<hbm>>
        tpu.enqueue_indirect_dma source(%dma_start3A_100 : memref<10240x128xf32, #tpu.memory_space<hbm>>) target(%arg8 : memref<128x128xf32, #tpu.memory_space<vmem>>) offsets(%dma_start3A_97 : memref<128xi32, #tpu.memory_space<vmem>>) semaphore(%arg12 : memref<!tpu.dma_semaphore, #tpu.memory_space<semaphore_mem>>)
      } else {
      }
      %dma_wait3A_82 = arith.constant 0 : i32
      %dma_wait3A_83 = arith.constant 0 : i32
      %dma_wait3A_84 = tpu.memref_slice %arg6[%dma_wait3A_82, %dma_wait3A_83] : memref<8x128xi32, #tpu.memory_space<vmem>> -> memref<1x128xi32, #tpu.memory_space<vmem>>
      %dma_wait3A_85 = tpu.memref_squeeze %dma_wait3A_84 : memref<1x128xi32, #tpu.memory_space<vmem>> -> memref<128xi32, #tpu.memory_space<vmem>>
      %dma_wait3A_86 = arith.constant 0 : i32
      %dma_wait3A_87 = arith.constant 0 : i32
      %dma_wait3A_88 = tpu.memref_slice %arg2[%dma_wait3A_86, %dma_wait3A_87] : memref<10240x128xf32, #tpu.memory_space<hbm>> -> memref<10240x128xf32, #tpu.memory_space<hbm>>
      tpu.wait_indirect_dma semaphore(%arg13 : memref<!tpu.dma_semaphore, #tpu.memory_space<semaphore_mem>>) src(%dma_wait3A_88 : memref<10240x128xf32, #tpu.memory_space<hbm>>) dst(%arg9 : memref<128x128xf32, #tpu.memory_space<vmem>>)
      %add3A_89 = arith.constant 1 : i32
      %add3A_90 = arith.addi %mul3A_63, %add3A_89 : i32
      "tpu.region"() ({
        %run_scoped3A = tpu.sem_alloc : memref<!tpu.dma_semaphore, #tpu.memory_space<semaphore_mem>>
        %dma_start3A_93 = arith.constant 0 : i32
        %dma_start3A_94 = tpu.memref_slice %arg7[%add3A_90, %dma_start3A_93] : memref<8x128xi32, #tpu.memory_space<vmem>> -> memref<1x128xi32, #tpu.memory_space<vmem>>
        %dma_start3A_95 = tpu.memref_squeeze %dma_start3A_94 : memref<1x128xi32, #tpu.memory_space<vmem>> -> memref<128xi32, #tpu.memory_space<vmem>>
        %dma_start3A_96 = arith.constant 0 : i32
        %dma_start3A_97 = arith.constant 0 : i32
        %dma_start3A_98 = tpu.memref_slice %arg14[%dma_start3A_96, %dma_start3A_97] : memref<2176x128xf32, #tpu.memory_space<vmem_shared>> -> memref<2176x128xf32, #tpu.memory_space<vmem_shared>>
        tpu.enqueue_indirect_dma source(%arg9 : memref<128x128xf32, #tpu.memory_space<vmem>>) target(%dma_start3A_98 : memref<2176x128xf32, #tpu.memory_space<vmem_shared>>) offsets(%dma_start3A_95 : memref<128xi32, #tpu.memory_space<vmem>>) semaphore(%run_scoped3A : memref<!tpu.dma_semaphore, #tpu.memory_space<semaphore_mem>>) {add = true}
        %dma_wait3A_99 = arith.constant 0 : i32
        %dma_wait3A_100 = tpu.memref_slice %arg7[%add3A_90, %dma_wait3A_99] : memref<8x128xi32, #tpu.memory_space<vmem>> -> memref<1x128xi32, #tpu.memory_space<vmem>>
        %dma_wait3A_101 = tpu.memref_squeeze %dma_wait3A_100 : memref<1x128xi32, #tpu.memory_space<vmem>> -> memref<128xi32, #tpu.memory_space<vmem>>
        %dma_wait3A_102 = arith.constant 0 : i32
        %dma_wait3A_103 = arith.constant 0 : i32
        %dma_wait3A_104 = tpu.memref_slice %arg14[%dma_wait3A_102, %dma_wait3A_103] : memref<2176x128xf32, #tpu.memory_space<vmem_shared>> -> memref<2176x128xf32, #tpu.memory_space<vmem_shared>>
        tpu.wait_indirect_dma semaphore(%run_scoped3A : memref<!tpu.dma_semaphore, #tpu.memory_space<semaphore_mem>>) src(%arg9 : memref<128x128xf32, #tpu.memory_space<vmem>>) dst(%dma_wait3A_104 : memref<2176x128xf32, #tpu.memory_space<vmem_shared>>)
        tpu.yield
      }) : () -> ()
      %add3A_91 = arith.constant 1 : i32
      %add3A_92 = arith.addi %mul3A_63, %add3A_91 : i32
      "tpu.region"() ({
        %run_scoped3A = tpu.sem_alloc : memref<!tpu.dma_semaphore, #tpu.memory_space<semaphore_mem>>
        %dma_start3A_93 = arith.constant 0 : i32
        %dma_start3A_94 = tpu.memref_slice %arg7[%add3A_92, %dma_start3A_93] : memref<8x128xi32, #tpu.memory_space<vmem>> -> memref<1x128xi32, #tpu.memory_space<vmem>>
        %dma_start3A_95 = tpu.memref_squeeze %dma_start3A_94 : memref<1x128xi32, #tpu.memory_space<vmem>> -> memref<128xi32, #tpu.memory_space<vmem>>
        %dma_start3A_96 = arith.constant 0 : i32
        %dma_start3A_97 = arith.constant 0 : i32
        %dma_start3A_98 = tpu.memref_slice %arg15[%dma_start3A_96, %dma_start3A_97] : memref<2176x128xf32, #tpu.memory_space<vmem_shared>> -> memref<2176x128xf32, #tpu.memory_space<vmem_shared>>
        tpu.enqueue_indirect_dma source(%arg10 : memref<128x128xf32, #tpu.memory_space<vmem>>) target(%dma_start3A_98 : memref<2176x128xf32, #tpu.memory_space<vmem_shared>>) offsets(%dma_start3A_95 : memref<128xi32, #tpu.memory_space<vmem>>) semaphore(%run_scoped3A : memref<!tpu.dma_semaphore, #tpu.memory_space<semaphore_mem>>) {add = true}
        %dma_wait3A_99 = arith.constant 0 : i32
        %dma_wait3A_100 = tpu.memref_slice %arg7[%add3A_92, %dma_wait3A_99] : memref<8x128xi32, #tpu.memory_space<vmem>> -> memref<1x128xi32, #tpu.memory_space<vmem>>
        %dma_wait3A_101 = tpu.memref_squeeze %dma_wait3A_100 : memref<1x128xi32, #tpu.memory_space<vmem>> -> memref<128xi32, #tpu.memory_space<vmem>>
        %dma_wait3A_102 = arith.constant 0 : i32
        %dma_wait3A_103 = arith.constant 0 : i32
        %dma_wait3A_104 = tpu.memref_slice %arg15[%dma_wait3A_102, %dma_wait3A_103] : memref<2176x128xf32, #tpu.memory_space<vmem_shared>> -> memref<2176x128xf32, #tpu.memory_space<vmem_shared>>
        tpu.wait_indirect_dma semaphore(%run_scoped3A : memref<!tpu.dma_semaphore, #tpu.memory_space<semaphore_mem>>) src(%arg10 : memref<128x128xf32, #tpu.memory_space<vmem>>) dst(%dma_wait3A_104 : memref<2176x128xf32, #tpu.memory_space<vmem_shared>>)
        tpu.yield
      }) : () -> ()
    }
    %scan3A_37 = arith.constant 4 : i32
    %barrier3A_38 = arith.constant 0 : index
    tpu.barrier barrier_id(%barrier3A_38)
    %mul3A_39 = arith.constant 128 : i32
    %mul3A_40 = arith.muli %arg1, %mul3A_39 : i32
    %add3A_41 = arith.constant 0 : i32
    %add3A_42 = arith.addi %add3A_41, %arg0 : i32
    %mul3A_43 = arith.constant 2048 : i32
    %mul3A_44 = arith.muli %add3A_42, %mul3A_43 : i32
    %add3A_45 = arith.addi %mul3A_44, %mul3A_40 : i32
    %add3A_46 = arith.constant 0 : i32
    %add3A_47 = arith.addi %mul3A_40, %add3A_46 : i32
    %add3A_48 = arith.constant 0 : i32
    %add3A_49 = arith.addi %add3A_45, %add3A_48 : i32
    "tpu.region"() ({
      %run_scoped3A = tpu.sem_alloc : memref<!tpu.dma_semaphore, #tpu.memory_space<semaphore_mem>>
      %dma_start3A_61 = arith.constant 0 : i32
      %dma_start3A_62 = tpu.memref_slice %arg5[%add3A_49, %dma_start3A_61] : memref<8192x128xf32, #tpu.memory_space<hbm>> -> memref<128x128xf32, #tpu.memory_space<hbm>>
      %dma_start3A_63 = arith.constant 0 : i32
      %dma_start3A_64 = tpu.memref_slice %arg14[%add3A_47, %dma_start3A_63] : memref<2176x128xf32, #tpu.memory_space<vmem_shared>> -> memref<128x128xf32, #tpu.memory_space<vmem_shared>>
      tpu.enqueue_dma source(%dma_start3A_64 : memref<128x128xf32, #tpu.memory_space<vmem_shared>>) target(%dma_start3A_62 : memref<128x128xf32, #tpu.memory_space<hbm>>) target_semaphore(%run_scoped3A : memref<!tpu.dma_semaphore, #tpu.memory_space<semaphore_mem>>)
      %dma_wait3A = arith.constant 0 : i32
      %dma_wait3A_65 = tpu.memref_slice %arg5[%add3A_49, %dma_wait3A] : memref<8192x128xf32, #tpu.memory_space<hbm>> -> memref<128x128xf32, #tpu.memory_space<hbm>>
      %dma_wait3A_66 = arith.constant 0 : i32
      %dma_wait3A_67 = tpu.memref_slice %arg14[%add3A_47, %dma_wait3A_66] : memref<2176x128xf32, #tpu.memory_space<vmem_shared>> -> memref<128x128xf32, #tpu.memory_space<vmem_shared>>
      tpu.wait_dma2 semaphore(%run_scoped3A : memref<!tpu.dma_semaphore, #tpu.memory_space<semaphore_mem>>) src(%dma_wait3A_67 : memref<128x128xf32, #tpu.memory_space<vmem_shared>>) dst(%dma_wait3A_65 : memref<128x128xf32, #tpu.memory_space<hbm>>)
      tpu.yield
    }) : () -> ()
    %mul3A_50 = arith.constant 128 : i32
    %mul3A_51 = arith.muli %arg1, %mul3A_50 : i32
    %add3A_52 = arith.constant 2 : i32
    %add3A_53 = arith.addi %add3A_52, %arg0 : i32
    %mul3A_54 = arith.constant 2048 : i32
    %mul3A_55 = arith.muli %add3A_53, %mul3A_54 : i32
    %add3A_56 = arith.addi %mul3A_55, %mul3A_51 : i32
    %add3A_57 = arith.constant 0 : i32
    %add3A_58 = arith.addi %mul3A_51, %add3A_57 : i32
    %add3A_59 = arith.constant 0 : i32
    %add3A_60 = arith.addi %add3A_56, %add3A_59 : i32
    "tpu.region"() ({
      %run_scoped3A = tpu.sem_alloc : memref<!tpu.dma_semaphore, #tpu.memory_space<semaphore_mem>>
      %dma_start3A_61 = arith.constant 0 : i32
      %dma_start3A_62 = tpu.memref_slice %arg5[%add3A_60, %dma_start3A_61] : memref<8192x128xf32, #tpu.memory_space<hbm>> -> memref<128x128xf32, #tpu.memory_space<hbm>>
      %dma_start3A_63 = arith.constant 0 : i32
      %dma_start3A_64 = tpu.memref_slice %arg15[%add3A_58, %dma_start3A_63] : memref<2176x128xf32, #tpu.memory_space<vmem_shared>> -> memref<128x128xf32, #tpu.memory_space<vmem_shared>>
      tpu.enqueue_dma source(%dma_start3A_64 : memref<128x128xf32, #tpu.memory_space<vmem_shared>>) target(%dma_start3A_62 : memref<128x128xf32, #tpu.memory_space<hbm>>) target_semaphore(%run_scoped3A : memref<!tpu.dma_semaphore, #tpu.memory_space<semaphore_mem>>)
      %dma_wait3A = arith.constant 0 : i32
      %dma_wait3A_65 = tpu.memref_slice %arg5[%add3A_60, %dma_wait3A] : memref<8192x128xf32, #tpu.memory_space<hbm>> -> memref<128x128xf32, #tpu.memory_space<hbm>>
      %dma_wait3A_66 = arith.constant 0 : i32
      %dma_wait3A_67 = tpu.memref_slice %arg15[%add3A_58, %dma_wait3A_66] : memref<2176x128xf32, #tpu.memory_space<vmem_shared>> -> memref<128x128xf32, #tpu.memory_space<vmem_shared>>
      tpu.wait_dma2 semaphore(%run_scoped3A : memref<!tpu.dma_semaphore, #tpu.memory_space<semaphore_mem>>) src(%dma_wait3A_67 : memref<128x128xf32, #tpu.memory_space<vmem_shared>>) dst(%dma_wait3A_65 : memref<128x128xf32, #tpu.memory_space<hbm>>)
      tpu.yield
    }) : () -> ()
    return
  }
}

module attributes {stable_mosaic.version = 14 : i64} {
  func.func @body(%arg0: i32, %arg1: memref<1024x128xf32, #tpu.memory_space<vmem>>, %arg2: memref<1024x128xf32, #tpu.memory_space<vmem>>, %arg3: memref<1024x128xf32, #tpu.memory_space<vmem>>, %arg4: memref<128x128xf32, #tpu.memory_space<vmem>>, %arg5: memref<128x128xf32, #tpu.memory_space<vmem>>, %arg6: memref<1x128xf32, #tpu.memory_space<vmem>>, %arg7: memref<1024x128xf32, #tpu.memory_space<vmem>>) attributes {dimension_semantics = [#tpu.dimension_semantics<arbitrary>], iteration_bounds = array<i64: 10>, scalar_prefetch = 0 : i64, scratch_operands = 0 : i64, tpu.core_type = #tpu.core_type<tc>, window_params = [{transform_indices = @transform_0, window_bounds = array<i64: 1024, 128>}, {transform_indices = @transform_1, window_bounds = array<i64: 1024, 128>}, {transform_indices = @transform_2, window_bounds = array<i64: 1024, 128>}, {pipeline_mode = #tpu.pipeline_mode<synchronous>, transform_indices = @transform_3, window_bounds = array<i64: 128, 128>}, {pipeline_mode = #tpu.pipeline_mode<synchronous>, transform_indices = @transform_4, window_bounds = array<i64: 128, 128>}, {pipeline_mode = #tpu.pipeline_mode<synchronous>, transform_indices = @transform_5, window_bounds = array<i64: 1, 128>}, {transform_indices = @transform_6, window_bounds = array<i64: 1024, 128>}]} {
    %get3A = arith.constant 0 : index
    %get3A_0 = arith.constant 0 : index
    %get3A_1 = vector.load %arg3[%get3A, %get3A_0] : memref<1024x128xf32, #tpu.memory_space<vmem>>, vector<1024x128xf32>
    %max3A = arith.constant 1.000000e+00 : f32
    %max3A_2 = vector.broadcast %max3A : f32 to vector<1024x128xf32>
    %max3A_3 = arith.maximumf %get3A_1, %max3A_2 : vector<1024x128xf32>
    %slice3A = vector.extract_strided_slice %max3A_3 {offsets = [0, 0], sizes = [1024, 1], strides = [1, 1]} : vector<1024x128xf32> to vector<1024x1xf32>
    %get3A_4 = arith.constant 0 : index
    %get3A_5 = arith.constant 0 : index
    %get3A_6 = vector.load %arg2[%get3A_4, %get3A_5] : memref<1024x128xf32, #tpu.memory_space<vmem>>, vector<1024x128xf32>
    %div3A = vector.broadcast %slice3A : vector<1024x1xf32> to vector<1024x128xf32>
    %div3A_7 = arith.divf %get3A_6, %div3A : vector<1024x128xf32>
    %get3A_8 = arith.constant 0 : index
    %get3A_9 = arith.constant 0 : index
    %get3A_10 = vector.load %arg1[%get3A_8, %get3A_9] : memref<1024x128xf32, #tpu.memory_space<vmem>>, vector<1024x128xf32>
    %get3A_11 = arith.constant 0 : index
    %get3A_12 = arith.constant 0 : index
    %get3A_13 = vector.load %arg4[%get3A_11, %get3A_12] : memref<128x128xf32, #tpu.memory_space<vmem>>, vector<128x128xf32>
    %dot_general3A = arith.constant dense<0.000000e+00> : vector<1024x128xf32>
    %dot_general3A_14 = tpu.matmul %get3A_10, %get3A_13, %dot_general3A {dimension_numbers = #tpu.dot_dimension_numbers<[1], [0], [0], [1], [0, 0, 1, 1], [], []>, transpose_lhs_hint = false} : vector<1024x128xf32>, vector<128x128xf32>, vector<1024x128xf32> -> vector<1024x128xf32>
    %get3A_15 = arith.constant 0 : index
    %get3A_16 = arith.constant 0 : index
    %get3A_17 = vector.load %arg5[%get3A_15, %get3A_16] : memref<128x128xf32, #tpu.memory_space<vmem>>, vector<128x128xf32>
    %dot_general3A_18 = arith.constant dense<0.000000e+00> : vector<1024x128xf32>
    %dot_general3A_19 = tpu.matmul %div3A_7, %get3A_17, %dot_general3A_18 {dimension_numbers = #tpu.dot_dimension_numbers<[1], [0], [0], [1], [0, 0, 1, 1], [], []>, transpose_lhs_hint = false} : vector<1024x128xf32>, vector<128x128xf32>, vector<1024x128xf32> -> vector<1024x128xf32>
    %add3A = arith.addf %dot_general3A_14, %dot_general3A_19 : vector<1024x128xf32>
    %get3A_20 = arith.constant 0 : index
    %get3A_21 = arith.constant 0 : index
    %get3A_22 = vector.load %arg6[%get3A_20, %get3A_21] : memref<1x128xf32, #tpu.memory_space<vmem>>, vector<1x128xf32>
    %add3A_23 = vector.broadcast %get3A_22 : vector<1x128xf32> to vector<1024x128xf32>
    %add3A_24 = arith.addf %add3A, %add3A_23 : vector<1024x128xf32>
    %max3A_25 = arith.constant 0.000000e+00 : f32
    %max3A_26 = vector.broadcast %max3A_25 : f32 to vector<1024x128xf32>
    %max3A_27 = arith.maximumf %add3A_24, %max3A_26 : vector<1024x128xf32>
    %swap3A = arith.constant 0 : index
    %swap3A_28 = arith.constant 0 : index
    %swap3A_29 = vector.load %arg7[%swap3A, %swap3A_28] : memref<1024x128xf32, #tpu.memory_space<vmem>>, vector<1024x128xf32>
    tpu.vector_store %arg7[%swap3A, %swap3A_28], %max3A_27 {strides = array<i32>} : memref<1024x128xf32, #tpu.memory_space<vmem>>, vector<1024x128xf32>,
    return
  }
  func.func @transform_0(%arg0: i32) -> (i32, i32) {
    %c0_i32 = arith.constant 0 : i32
    %c0_i32_0 = arith.constant 0 : i32
    return %arg0, %c0_i32 : i32, i32
  }
  func.func @transform_1(%arg0: i32) -> (i32, i32) {
    %jit3A = arith.constant 5 : i32
    %div3A = arith.divsi %arg0, %jit3A : i32
    %sign3A = arith.constant 0 : i32
    %sign3A_0 = arith.cmpi sgt, %arg0, %sign3A : i32
    %sign3A_1 = arith.extui %sign3A_0 : i1 to i32
    %sign3A_2 = arith.constant 0 : i32
    %sign3A_3 = arith.cmpi slt, %arg0, %sign3A_2 : i32
    %sign3A_4 = arith.extui %sign3A_3 : i1 to i32
    %sign3A_5 = arith.subi %sign3A_1, %sign3A_4 : i32
    %sign3A_6 = arith.constant 0 : i32
    %sign3A_7 = arith.cmpi sgt, %jit3A, %sign3A_6 : i32
    %sign3A_8 = arith.extui %sign3A_7 : i1 to i32
    %sign3A_9 = arith.constant 0 : i32
    %sign3A_10 = arith.cmpi slt, %jit3A, %sign3A_9 : i32
    %sign3A_11 = arith.extui %sign3A_10 : i1 to i32
    %sign3A_12 = arith.subi %sign3A_8, %sign3A_11 : i32
    %ne3A = arith.cmpi ne, %sign3A_5, %sign3A_12 : i32
    %rem3A = arith.remsi %arg0, %jit3A : i32
    %ne3A_13 = arith.constant 0 : i32
    %ne3A_14 = arith.cmpi ne, %rem3A, %ne3A_13 : i32
    %and3A = arith.andi %ne3A, %ne3A_14 : i1
    %sub3A = arith.constant 1 : i32
    %sub3A_15 = arith.subi %div3A, %sub3A : i32
    %select_n3A = arith.select %and3A, %sub3A_15, %div3A : i32
    %add3A = arith.constant 0 : i32
    %add3A_16 = arith.addi %add3A, %select_n3A : i32
    %mul3A = arith.constant 6 : i32
    %mul3A_17 = arith.muli %add3A_16, %mul3A : i32
    %jit3A_18 = arith.constant 5 : i32
    %eq3A = arith.constant 0 : i32
    %eq3A_19 = arith.cmpi eq, %jit3A_18, %eq3A : i32
    %jit3A_20 = arith.constant 1 : i32
    %select_n3A_21 = arith.select %eq3A_19, %jit3A_20, %jit3A_18 : i32
    %rem3A_22 = arith.remsi %arg0, %select_n3A_21 : i32
    %ne3A_23 = arith.constant 0 : i32
    %ne3A_24 = arith.cmpi ne, %rem3A_22, %ne3A_23 : i32
    %lt3A = arith.constant 0 : i32
    %lt3A_25 = arith.cmpi slt, %rem3A_22, %lt3A : i32
    %lt3A_26 = arith.constant 0 : i32
    %lt3A_27 = arith.cmpi slt, %select_n3A_21, %lt3A_26 : i32
    %ne3A_28 = arith.xori %lt3A_25, %lt3A_27 : i1
    %and3A_29 = arith.andi %ne3A_28, %ne3A_24 : i1
    %add3A_30 = arith.addi %rem3A_22, %select_n3A_21 : i32
    %select_n3A_31 = arith.select %and3A_29, %add3A_30, %rem3A_22 : i32
    %add3A_32 = arith.addi %mul3A_17, %select_n3A_31 : i32
    %c0_i32 = arith.constant 0 : i32
    %c0_i32_33 = arith.constant 0 : i32
    return %add3A_32, %c0_i32 : i32, i32
  }
  func.func @transform_2(%arg0: i32) -> (i32, i32) {
    %jit3A = arith.constant 5 : i32
    %div3A = arith.divsi %arg0, %jit3A : i32
    %sign3A = arith.constant 0 : i32
    %sign3A_0 = arith.cmpi sgt, %arg0, %sign3A : i32
    %sign3A_1 = arith.extui %sign3A_0 : i1 to i32
    %sign3A_2 = arith.constant 0 : i32
    %sign3A_3 = arith.cmpi slt, %arg0, %sign3A_2 : i32
    %sign3A_4 = arith.extui %sign3A_3 : i1 to i32
    %sign3A_5 = arith.subi %sign3A_1, %sign3A_4 : i32
    %sign3A_6 = arith.constant 0 : i32
    %sign3A_7 = arith.cmpi sgt, %jit3A, %sign3A_6 : i32
    %sign3A_8 = arith.extui %sign3A_7 : i1 to i32
    %sign3A_9 = arith.constant 0 : i32
    %sign3A_10 = arith.cmpi slt, %jit3A, %sign3A_9 : i32
    %sign3A_11 = arith.extui %sign3A_10 : i1 to i32
    %sign3A_12 = arith.subi %sign3A_8, %sign3A_11 : i32
    %ne3A = arith.cmpi ne, %sign3A_5, %sign3A_12 : i32
    %rem3A = arith.remsi %arg0, %jit3A : i32
    %ne3A_13 = arith.constant 0 : i32
    %ne3A_14 = arith.cmpi ne, %rem3A, %ne3A_13 : i32
    %and3A = arith.andi %ne3A, %ne3A_14 : i1
    %sub3A = arith.constant 1 : i32
    %sub3A_15 = arith.subi %div3A, %sub3A : i32
    %select_n3A = arith.select %and3A, %sub3A_15, %div3A : i32
    %add3A = arith.constant 2 : i32
    %add3A_16 = arith.addi %add3A, %select_n3A : i32
    %mul3A = arith.constant 6 : i32
    %mul3A_17 = arith.muli %add3A_16, %mul3A : i32
    %jit3A_18 = arith.constant 5 : i32
    %eq3A = arith.constant 0 : i32
    %eq3A_19 = arith.cmpi eq, %jit3A_18, %eq3A : i32
    %jit3A_20 = arith.constant 1 : i32
    %select_n3A_21 = arith.select %eq3A_19, %jit3A_20, %jit3A_18 : i32
    %rem3A_22 = arith.remsi %arg0, %select_n3A_21 : i32
    %ne3A_23 = arith.constant 0 : i32
    %ne3A_24 = arith.cmpi ne, %rem3A_22, %ne3A_23 : i32
    %lt3A = arith.constant 0 : i32
    %lt3A_25 = arith.cmpi slt, %rem3A_22, %lt3A : i32
    %lt3A_26 = arith.constant 0 : i32
    %lt3A_27 = arith.cmpi slt, %select_n3A_21, %lt3A_26 : i32
    %ne3A_28 = arith.xori %lt3A_25, %lt3A_27 : i1
    %and3A_29 = arith.andi %ne3A_28, %ne3A_24 : i1
    %add3A_30 = arith.addi %rem3A_22, %select_n3A_21 : i32
    %select_n3A_31 = arith.select %and3A_29, %add3A_30, %rem3A_22 : i32
    %add3A_32 = arith.addi %mul3A_17, %select_n3A_31 : i32
    %c0_i32 = arith.constant 0 : i32
    %c0_i32_33 = arith.constant 0 : i32
    return %add3A_32, %c0_i32 : i32, i32
  }
  func.func @transform_3(%arg0: i32) -> (i32, i32) {
    %c0_i32 = arith.constant 0 : i32
    %c0_i32_0 = arith.constant 0 : i32
    %c0_i32_1 = arith.constant 0 : i32
    return %c0_i32, %c0_i32_0 : i32, i32
  }
  func.func @transform_4(%arg0: i32) -> (i32, i32) {
    %c0_i32 = arith.constant 0 : i32
    %c0_i32_0 = arith.constant 0 : i32
    %c0_i32_1 = arith.constant 0 : i32
    return %c0_i32, %c0_i32_0 : i32, i32
  }
  func.func @transform_5(%arg0: i32) -> (i32, i32) {
    %c0_i32 = arith.constant 0 : i32
    %c0_i32_0 = arith.constant 0 : i32
    %c0_i32_1 = arith.constant 0 : i32
    return %c0_i32, %c0_i32_0 : i32, i32
  }
  func.func @transform_6(%arg0: i32) -> (i32, i32) {
    %c0_i32 = arith.constant 0 : i32
    %c0_i32_0 = arith.constant 0 : i32
    return %arg0, %c0_i32 : i32, i32
  }
}

module attributes {stable_mosaic.version = 14 : i64} {
  func.func @body(%arg0: i32, %arg1: memref<1024x128xf32, #tpu.memory_space<vmem>>, %arg2: memref<1024x128xf32, #tpu.memory_space<vmem>>, %arg3: memref<1024x128xf32, #tpu.memory_space<vmem>>, %arg4: memref<1024x128xf32, #tpu.memory_space<vmem>>, %arg5: memref<1024x128xf32, #tpu.memory_space<vmem>>, %arg6: memref<128x64xf32, #tpu.memory_space<vmem>>, %arg7: memref<128x64xf32, #tpu.memory_space<vmem>>, %arg8: memref<1x64xf32, #tpu.memory_space<vmem>>, %arg9: memref<1024x64xf32, #tpu.memory_space<vmem>>) attributes {dimension_semantics = [#tpu.dimension_semantics<arbitrary>], iteration_bounds = array<i64: 2>, scalar_prefetch = 0 : i64, scratch_operands = 0 : i64, tpu.core_type = #tpu.core_type<tc>, window_params = [{transform_indices = @transform_0, window_bounds = array<i64: 1024, 128>}, {transform_indices = @transform_1, window_bounds = array<i64: 1024, 128>}, {transform_indices = @transform_2, window_bounds = array<i64: 1024, 128>}, {transform_indices = @transform_3, window_bounds = array<i64: 1024, 128>}, {transform_indices = @transform_4, window_bounds = array<i64: 1024, 128>}, {pipeline_mode = #tpu.pipeline_mode<synchronous>, transform_indices = @transform_5, window_bounds = array<i64: 128, 64>}, {pipeline_mode = #tpu.pipeline_mode<synchronous>, transform_indices = @transform_6, window_bounds = array<i64: 128, 64>}, {pipeline_mode = #tpu.pipeline_mode<synchronous>, transform_indices = @transform_7, window_bounds = array<i64: 1, 64>}, {transform_indices = @transform_8, window_bounds = array<i64: 1024, 64>}]} {
    %get3A = arith.constant 0 : index
    %get3A_0 = arith.constant 0 : index
    %get3A_1 = vector.load %arg4[%get3A, %get3A_0] : memref<1024x128xf32, #tpu.memory_space<vmem>>, vector<1024x128xf32>
    %get3A_2 = arith.constant 0 : index
    %get3A_3 = arith.constant 0 : index
    %get3A_4 = vector.load %arg5[%get3A_2, %get3A_3] : memref<1024x128xf32, #tpu.memory_space<vmem>>, vector<1024x128xf32>
    %add3A = arith.addf %get3A_1, %get3A_4 : vector<1024x128xf32>
    %max3A = arith.constant 1.000000e+00 : f32
    %max3A_5 = vector.broadcast %max3A : f32 to vector<1024x128xf32>
    %max3A_6 = arith.maximumf %add3A, %max3A_5 : vector<1024x128xf32>
    %slice3A = vector.extract_strided_slice %max3A_6 {offsets = [0, 0], sizes = [1024, 1], strides = [1, 1]} : vector<1024x128xf32> to vector<1024x1xf32>
    %get3A_7 = arith.constant 0 : index
    %get3A_8 = arith.constant 0 : index
    %get3A_9 = vector.load %arg2[%get3A_7, %get3A_8] : memref<1024x128xf32, #tpu.memory_space<vmem>>, vector<1024x128xf32>
    %get3A_10 = arith.constant 0 : index
    %get3A_11 = arith.constant 0 : index
    %get3A_12 = vector.load %arg3[%get3A_10, %get3A_11] : memref<1024x128xf32, #tpu.memory_space<vmem>>, vector<1024x128xf32>
    %add3A_13 = arith.addf %get3A_9, %get3A_12 : vector<1024x128xf32>
    %div3A = vector.broadcast %slice3A : vector<1024x1xf32> to vector<1024x128xf32>
    %div3A_14 = arith.divf %add3A_13, %div3A : vector<1024x128xf32>
    %get3A_15 = arith.constant 0 : index
    %get3A_16 = arith.constant 0 : index
    %get3A_17 = vector.load %arg1[%get3A_15, %get3A_16] : memref<1024x128xf32, #tpu.memory_space<vmem>>, vector<1024x128xf32>
    %get3A_18 = arith.constant 0 : index
    %get3A_19 = arith.constant 0 : index
    %get3A_20 = vector.load %arg6[%get3A_18, %get3A_19] : memref<128x64xf32, #tpu.memory_space<vmem>>, vector<128x64xf32>
    %dot_general3A = arith.constant dense<0.000000e+00> : vector<1024x64xf32>
    %dot_general3A_21 = tpu.matmul %get3A_17, %get3A_20, %dot_general3A {dimension_numbers = #tpu.dot_dimension_numbers<[1], [0], [0], [1], [0, 0, 1, 1], [], []>, transpose_lhs_hint = false} : vector<1024x128xf32>, vector<128x64xf32>, vector<1024x64xf32> -> vector<1024x64xf32>
    %get3A_22 = arith.constant 0 : index
    %get3A_23 = arith.constant 0 : index
    %get3A_24 = vector.load %arg7[%get3A_22, %get3A_23] : memref<128x64xf32, #tpu.memory_space<vmem>>, vector<128x64xf32>
    %dot_general3A_25 = arith.constant dense<0.000000e+00> : vector<1024x64xf32>
    %dot_general3A_26 = tpu.matmul %div3A_14, %get3A_24, %dot_general3A_25 {dimension_numbers = #tpu.dot_dimension_numbers<[1], [0], [0], [1], [0, 0, 1, 1], [], []>, transpose_lhs_hint = false} : vector<1024x128xf32>, vector<128x64xf32>, vector<1024x64xf32> -> vector<1024x64xf32>
    %add3A_27 = arith.addf %dot_general3A_21, %dot_general3A_26 : vector<1024x64xf32>
    %get3A_28 = arith.constant 0 : index
    %get3A_29 = arith.constant 0 : index
    %get3A_30 = vector.load %arg8[%get3A_28, %get3A_29] : memref<1x64xf32, #tpu.memory_space<vmem>>, vector<1x64xf32>
    %add3A_31 = vector.broadcast %get3A_30 : vector<1x64xf32> to vector<1024x64xf32>
    %add3A_32 = arith.addf %add3A_27, %add3A_31 : vector<1024x64xf32>
    %swap3A = arith.constant 0 : index
    %swap3A_33 = arith.constant 0 : index
    %swap3A_34 = vector.load %arg9[%swap3A, %swap3A_33] : memref<1024x64xf32, #tpu.memory_space<vmem>>, vector<1024x64xf32>
    tpu.vector_store %arg9[%swap3A, %swap3A_33], %add3A_32 {strides = array<i32>} : memref<1024x64xf32, #tpu.memory_space<vmem>>, vector<1024x64xf32>,
    return
  }
  func.func @transform_0(%arg0: i32) -> (i32, i32) {
    %c0_i32 = arith.constant 0 : i32
    %c0_i32_0 = arith.constant 0 : i32
    return %arg0, %c0_i32 : i32, i32
  }
  func.func @transform_1(%arg0: i32) -> (i32, i32) {
    %jit3A = arith.constant 2 : i32
    %div3A = arith.divsi %arg0, %jit3A : i32
    %sign3A = arith.constant 0 : i32
    %sign3A_0 = arith.cmpi sgt, %arg0, %sign3A : i32
    %sign3A_1 = arith.extui %sign3A_0 : i1 to i32
    %sign3A_2 = arith.constant 0 : i32
    %sign3A_3 = arith.cmpi slt, %arg0, %sign3A_2 : i32
    %sign3A_4 = arith.extui %sign3A_3 : i1 to i32
    %sign3A_5 = arith.subi %sign3A_1, %sign3A_4 : i32
    %sign3A_6 = arith.constant 0 : i32
    %sign3A_7 = arith.cmpi sgt, %jit3A, %sign3A_6 : i32
    %sign3A_8 = arith.extui %sign3A_7 : i1 to i32
    %sign3A_9 = arith.constant 0 : i32
    %sign3A_10 = arith.cmpi slt, %jit3A, %sign3A_9 : i32
    %sign3A_11 = arith.extui %sign3A_10 : i1 to i32
    %sign3A_12 = arith.subi %sign3A_8, %sign3A_11 : i32
    %ne3A = arith.cmpi ne, %sign3A_5, %sign3A_12 : i32
    %rem3A = arith.remsi %arg0, %jit3A : i32
    %ne3A_13 = arith.constant 0 : i32
    %ne3A_14 = arith.cmpi ne, %rem3A, %ne3A_13 : i32
    %and3A = arith.andi %ne3A, %ne3A_14 : i1
    %sub3A = arith.constant 1 : i32
    %sub3A_15 = arith.subi %div3A, %sub3A : i32
    %select_n3A = arith.select %and3A, %sub3A_15, %div3A : i32
    %add3A = arith.constant 0 : i32
    %add3A_16 = arith.addi %add3A, %select_n3A : i32
    %mul3A = arith.constant 2 : i32
    %mul3A_17 = arith.muli %add3A_16, %mul3A : i32
    %add3A_18 = arith.constant 0 : i32
    %add3A_19 = arith.addi %mul3A_17, %add3A_18 : i32
    %mul3A_20 = arith.constant 2 : i32
    %mul3A_21 = arith.muli %add3A_19, %mul3A_20 : i32
    %jit3A_22 = arith.constant 2 : i32
    %eq3A = arith.constant 0 : i32
    %eq3A_23 = arith.cmpi eq, %jit3A_22, %eq3A : i32
    %jit3A_24 = arith.constant 1 : i32
    %select_n3A_25 = arith.select %eq3A_23, %jit3A_24, %jit3A_22 : i32
    %rem3A_26 = arith.remsi %arg0, %select_n3A_25 : i32
    %ne3A_27 = arith.constant 0 : i32
    %ne3A_28 = arith.cmpi ne, %rem3A_26, %ne3A_27 : i32
    %lt3A = arith.constant 0 : i32
    %lt3A_29 = arith.cmpi slt, %rem3A_26, %lt3A : i32
    %lt3A_30 = arith.constant 0 : i32
    %lt3A_31 = arith.cmpi slt, %select_n3A_25, %lt3A_30 : i32
    %ne3A_32 = arith.xori %lt3A_29, %lt3A_31 : i1
    %and3A_33 = arith.andi %ne3A_32, %ne3A_28 : i1
    %add3A_34 = arith.addi %rem3A_26, %select_n3A_25 : i32
    %select_n3A_35 = arith.select %and3A_33, %add3A_34, %rem3A_26 : i32
    %add3A_36 = arith.addi %mul3A_21, %select_n3A_35 : i32
    %c0_i32 = arith.constant 0 : i32
    %c0_i32_37 = arith.constant 0 : i32
    return %add3A_36, %c0_i32 : i32, i32
  }
  func.func @transform_2(%arg0: i32) -> (i32, i32) {
    %jit3A = arith.constant 2 : i32
    %div3A = arith.divsi %arg0, %jit3A : i32
    %sign3A = arith.constant 0 : i32
    %sign3A_0 = arith.cmpi sgt, %arg0, %sign3A : i32
    %sign3A_1 = arith.extui %sign3A_0 : i1 to i32
    %sign3A_2 = arith.constant 0 : i32
    %sign3A_3 = arith.cmpi slt, %arg0, %sign3A_2 : i32
    %sign3A_4 = arith.extui %sign3A_3 : i1 to i32
    %sign3A_5 = arith.subi %sign3A_1, %sign3A_4 : i32
    %sign3A_6 = arith.constant 0 : i32
    %sign3A_7 = arith.cmpi sgt, %jit3A, %sign3A_6 : i32
    %sign3A_8 = arith.extui %sign3A_7 : i1 to i32
    %sign3A_9 = arith.constant 0 : i32
    %sign3A_10 = arith.cmpi slt, %jit3A, %sign3A_9 : i32
    %sign3A_11 = arith.extui %sign3A_10 : i1 to i32
    %sign3A_12 = arith.subi %sign3A_8, %sign3A_11 : i32
    %ne3A = arith.cmpi ne, %sign3A_5, %sign3A_12 : i32
    %rem3A = arith.remsi %arg0, %jit3A : i32
    %ne3A_13 = arith.constant 0 : i32
    %ne3A_14 = arith.cmpi ne, %rem3A, %ne3A_13 : i32
    %and3A = arith.andi %ne3A, %ne3A_14 : i1
    %sub3A = arith.constant 1 : i32
    %sub3A_15 = arith.subi %div3A, %sub3A : i32
    %select_n3A = arith.select %and3A, %sub3A_15, %div3A : i32
    %add3A = arith.constant 0 : i32
    %add3A_16 = arith.addi %add3A, %select_n3A : i32
    %mul3A = arith.constant 2 : i32
    %mul3A_17 = arith.muli %add3A_16, %mul3A : i32
    %add3A_18 = arith.constant 1 : i32
    %add3A_19 = arith.addi %mul3A_17, %add3A_18 : i32
    %mul3A_20 = arith.constant 2 : i32
    %mul3A_21 = arith.muli %add3A_19, %mul3A_20 : i32
    %jit3A_22 = arith.constant 2 : i32
    %eq3A = arith.constant 0 : i32
    %eq3A_23 = arith.cmpi eq, %jit3A_22, %eq3A : i32
    %jit3A_24 = arith.constant 1 : i32
    %select_n3A_25 = arith.select %eq3A_23, %jit3A_24, %jit3A_22 : i32
    %rem3A_26 = arith.remsi %arg0, %select_n3A_25 : i32
    %ne3A_27 = arith.constant 0 : i32
    %ne3A_28 = arith.cmpi ne, %rem3A_26, %ne3A_27 : i32
    %lt3A = arith.constant 0 : i32
    %lt3A_29 = arith.cmpi slt, %rem3A_26, %lt3A : i32
    %lt3A_30 = arith.constant 0 : i32
    %lt3A_31 = arith.cmpi slt, %select_n3A_25, %lt3A_30 : i32
    %ne3A_32 = arith.xori %lt3A_29, %lt3A_31 : i1
    %and3A_33 = arith.andi %ne3A_32, %ne3A_28 : i1
    %add3A_34 = arith.addi %rem3A_26, %select_n3A_25 : i32
    %select_n3A_35 = arith.select %and3A_33, %add3A_34, %rem3A_26 : i32
    %add3A_36 = arith.addi %mul3A_21, %select_n3A_35 : i32
    %c0_i32 = arith.constant 0 : i32
    %c0_i32_37 = arith.constant 0 : i32
    return %add3A_36, %c0_i32 : i32, i32
  }
  func.func @transform_3(%arg0: i32) -> (i32, i32) {
    %jit3A = arith.constant 2 : i32
    %div3A = arith.divsi %arg0, %jit3A : i32
    %sign3A = arith.constant 0 : i32
    %sign3A_0 = arith.cmpi sgt, %arg0, %sign3A : i32
    %sign3A_1 = arith.extui %sign3A_0 : i1 to i32
    %sign3A_2 = arith.constant 0 : i32
    %sign3A_3 = arith.cmpi slt, %arg0, %sign3A_2 : i32
    %sign3A_4 = arith.extui %sign3A_3 : i1 to i32
    %sign3A_5 = arith.subi %sign3A_1, %sign3A_4 : i32
    %sign3A_6 = arith.constant 0 : i32
    %sign3A_7 = arith.cmpi sgt, %jit3A, %sign3A_6 : i32
    %sign3A_8 = arith.extui %sign3A_7 : i1 to i32
    %sign3A_9 = arith.constant 0 : i32
    %sign3A_10 = arith.cmpi slt, %jit3A, %sign3A_9 : i32
    %sign3A_11 = arith.extui %sign3A_10 : i1 to i32
    %sign3A_12 = arith.subi %sign3A_8, %sign3A_11 : i32
    %ne3A = arith.cmpi ne, %sign3A_5, %sign3A_12 : i32
    %rem3A = arith.remsi %arg0, %jit3A : i32
    %ne3A_13 = arith.constant 0 : i32
    %ne3A_14 = arith.cmpi ne, %rem3A, %ne3A_13 : i32
    %and3A = arith.andi %ne3A, %ne3A_14 : i1
    %sub3A = arith.constant 1 : i32
    %sub3A_15 = arith.subi %div3A, %sub3A : i32
    %select_n3A = arith.select %and3A, %sub3A_15, %div3A : i32
    %add3A = arith.constant 1 : i32
    %add3A_16 = arith.addi %add3A, %select_n3A : i32
    %mul3A = arith.constant 2 : i32
    %mul3A_17 = arith.muli %add3A_16, %mul3A : i32
    %add3A_18 = arith.constant 0 : i32
    %add3A_19 = arith.addi %mul3A_17, %add3A_18 : i32
    %mul3A_20 = arith.constant 2 : i32
    %mul3A_21 = arith.muli %add3A_19, %mul3A_20 : i32
    %jit3A_22 = arith.constant 2 : i32
    %eq3A = arith.constant 0 : i32
    %eq3A_23 = arith.cmpi eq, %jit3A_22, %eq3A : i32
    %jit3A_24 = arith.constant 1 : i32
    %select_n3A_25 = arith.select %eq3A_23, %jit3A_24, %jit3A_22 : i32
    %rem3A_26 = arith.remsi %arg0, %select_n3A_25 : i32
    %ne3A_27 = arith.constant 0 : i32
    %ne3A_28 = arith.cmpi ne, %rem3A_26, %ne3A_27 : i32
    %lt3A = arith.constant 0 : i32
    %lt3A_29 = arith.cmpi slt, %rem3A_26, %lt3A : i32
    %lt3A_30 = arith.constant 0 : i32
    %lt3A_31 = arith.cmpi slt, %select_n3A_25, %lt3A_30 : i32
    %ne3A_32 = arith.xori %lt3A_29, %lt3A_31 : i1
    %and3A_33 = arith.andi %ne3A_32, %ne3A_28 : i1
    %add3A_34 = arith.addi %rem3A_26, %select_n3A_25 : i32
    %select_n3A_35 = arith.select %and3A_33, %add3A_34, %rem3A_26 : i32
    %add3A_36 = arith.addi %mul3A_21, %select_n3A_35 : i32
    %c0_i32 = arith.constant 0 : i32
    %c0_i32_37 = arith.constant 0 : i32
    return %add3A_36, %c0_i32 : i32, i32
  }
  func.func @transform_4(%arg0: i32) -> (i32, i32) {
    %jit3A = arith.constant 2 : i32
    %div3A = arith.divsi %arg0, %jit3A : i32
    %sign3A = arith.constant 0 : i32
    %sign3A_0 = arith.cmpi sgt, %arg0, %sign3A : i32
    %sign3A_1 = arith.extui %sign3A_0 : i1 to i32
    %sign3A_2 = arith.constant 0 : i32
    %sign3A_3 = arith.cmpi slt, %arg0, %sign3A_2 : i32
    %sign3A_4 = arith.extui %sign3A_3 : i1 to i32
    %sign3A_5 = arith.subi %sign3A_1, %sign3A_4 : i32
    %sign3A_6 = arith.constant 0 : i32
    %sign3A_7 = arith.cmpi sgt, %jit3A, %sign3A_6 : i32
    %sign3A_8 = arith.extui %sign3A_7 : i1 to i32
    %sign3A_9 = arith.constant 0 : i32
    %sign3A_10 = arith.cmpi slt, %jit3A, %sign3A_9 : i32
    %sign3A_11 = arith.extui %sign3A_10 : i1 to i32
    %sign3A_12 = arith.subi %sign3A_8, %sign3A_11 : i32
    %ne3A = arith.cmpi ne, %sign3A_5, %sign3A_12 : i32
    %rem3A = arith.remsi %arg0, %jit3A : i32
    %ne3A_13 = arith.constant 0 : i32
    %ne3A_14 = arith.cmpi ne, %rem3A, %ne3A_13 : i32
    %and3A = arith.andi %ne3A, %ne3A_14 : i1
    %sub3A = arith.constant 1 : i32
    %sub3A_15 = arith.subi %div3A, %sub3A : i32
    %select_n3A = arith.select %and3A, %sub3A_15, %div3A : i32
    %add3A = arith.constant 1 : i32
    %add3A_16 = arith.addi %add3A, %select_n3A : i32
    %mul3A = arith.constant 2 : i32
    %mul3A_17 = arith.muli %add3A_16, %mul3A : i32
    %add3A_18 = arith.constant 1 : i32
    %add3A_19 = arith.addi %mul3A_17, %add3A_18 : i32
    %mul3A_20 = arith.constant 2 : i32
    %mul3A_21 = arith.muli %add3A_19, %mul3A_20 : i32
    %jit3A_22 = arith.constant 2 : i32
    %eq3A = arith.constant 0 : i32
    %eq3A_23 = arith.cmpi eq, %jit3A_22, %eq3A : i32
    %jit3A_24 = arith.constant 1 : i32
    %select_n3A_25 = arith.select %eq3A_23, %jit3A_24, %jit3A_22 : i32
    %rem3A_26 = arith.remsi %arg0, %select_n3A_25 : i32
    %ne3A_27 = arith.constant 0 : i32
    %ne3A_28 = arith.cmpi ne, %rem3A_26, %ne3A_27 : i32
    %lt3A = arith.constant 0 : i32
    %lt3A_29 = arith.cmpi slt, %rem3A_26, %lt3A : i32
    %lt3A_30 = arith.constant 0 : i32
    %lt3A_31 = arith.cmpi slt, %select_n3A_25, %lt3A_30 : i32
    %ne3A_32 = arith.xori %lt3A_29, %lt3A_31 : i1
    %and3A_33 = arith.andi %ne3A_32, %ne3A_28 : i1
    %add3A_34 = arith.addi %rem3A_26, %select_n3A_25 : i32
    %select_n3A_35 = arith.select %and3A_33, %add3A_34, %rem3A_26 : i32
    %add3A_36 = arith.addi %mul3A_21, %select_n3A_35 : i32
    %c0_i32 = arith.constant 0 : i32
    %c0_i32_37 = arith.constant 0 : i32
    return %add3A_36, %c0_i32 : i32, i32
  }
  func.func @transform_5(%arg0: i32) -> (i32, i32) {
    %c0_i32 = arith.constant 0 : i32
    %c0_i32_0 = arith.constant 0 : i32
    %c0_i32_1 = arith.constant 0 : i32
    return %c0_i32, %c0_i32_0 : i32, i32
  }
  func.func @transform_6(%arg0: i32) -> (i32, i32) {
    %c0_i32 = arith.constant 0 : i32
    %c0_i32_0 = arith.constant 0 : i32
    %c0_i32_1 = arith.constant 0 : i32
    return %c0_i32, %c0_i32_0 : i32, i32
  }
  func.func @transform_7(%arg0: i32) -> (i32, i32) {
    %c0_i32 = arith.constant 0 : i32
    %c0_i32_0 = arith.constant 0 : i32
    %c0_i32_1 = arith.constant 0 : i32
    return %c0_i32, %c0_i32_0 : i32, i32
  }
  func.func @transform_8(%arg0: i32) -> (i32, i32) {
    %c0_i32 = arith.constant 0 : i32
    %c0_i32_0 = arith.constant 0 : i32
    return %arg0, %c0_i32 : i32, i32
  }
}

</mosaic_0001>

<sc_bundles>
// kernel: kernel.6.cloned.1.call-start
scs
__scs_entry_jumppad:
0x0: {  	(pc) =	sbr.rel $0x88, $3  }
0x1: {  	(tag) =	ssettag $0x0;
	lr =	simm.s32 $0x1  }
0x2: {  	[smem:$0x3F96] =	sst lr;
	_ =	strace $0xD0000000  }
0x3: {  	_ = 	snop  }
0x4: {  	_ = 	snop  }
0x5: {  	_ = 	snop  }
0x6: {  	_ = 	snop  }
0x7: {  	_ = 	snop  }
__scs_overlays_trampoline_lowered:
0x8: {  	[smem:$0x3FA5] =	sst s0  }
0x9: {  	[smem:$0x3FA6] =	sst s1  }
0xa: {  	[smem:$0x3FA7] =	sst s2  }
0xb: {  	[smem:$0x3FA8] =	sst s3  }
0xc: {  	[smem:$0x3FA9] =	sst s4  }
0xd: {  	[smem:$0x3FAA] =	sst s5  }
0xe: {  	[smem:$0x3FAB] =	sst s6  }
0xf: {  	[smem:$0x3FAC] =	sst s7  }
0x10: {  	[smem:$0x3FAD] =	sst s8  }
0x11: {  	[smem:$0x3FAE] =	sst s9;
	s0 =	simm.s32 @!p0 $0x0  }
0x12: {  	s1 =	sld [smem:$0x3F94];
	s0 =	simm.s32 @p0 $0x1  }
0x13: {  	[smem:$0x3FAF] =	sst s0;
	s0 =	simm.s32 @!p1 $0x0  }
0x14: {  	s2 =	sld [smem:$0x3F93];
	s0 =	simm.s32 @p1 $0x1  }
0x15: {  	[smem:$0x3FB0] =	sst s0;
	s0 =	simm.s32 @!p2 $0x0  }
0x16: {  	s3 =	sld [smem:$0x3FDB];
	s0 =	simm.s32 @p2 $0x1  }
0x17: {  	s4 =	simm.s32 $0x1BF5;
	[smem:$0x3FB2] =	sst s0  }
0x18: {  	s0 =	sld [smem:$0x3F95];
	_ =	swait.ge [sflag:s4], $0x0  }
0x19: {  	s7 =	sld [smem:$0x3F96]  }
0x1a: {  	s8 =	sadd.s32 $0xFFFFE003, lr  }
0x1b: {  	s9 =	sadd.s32 $0xFFFFFEF7, lr;
	s5 =	simm.s32 $0xFFFFFFFF;
	p2 =	slt.u32 s8, $0xFFFFF086  }
0x1c: {  	p1 =	slt.u32 s9, $0xF7A;
	s5 =	simm.s32 @!p2 $0x0  }
0x1d: {  	s5 =	simm.s32 @p1 $0x1;
	p0 =	seq.s32 s7, s2  }
0x1e: {  	s7 =	smul.u32 @!p0 $0xF7A, s2;
	p2 =	seq.s32 @!p0 s5, $0x0  }
0x1f: {  	s9 =	smul.u32 $0xF7A, s1;
	s8 =	simm.s32 @!p0 $0x1BF5;
	p2 =	por !p2, p0  }
0x20: {  	[sflag:s8] =	ssyncset.s32 @!p0 $0xFFFFF086;
	s6 =	sadd.s32 @!p0 s3, s7;
	s7 =	simm.s32 @!p0 $0x108  }
0x21: {  	s3 =	sadd.s32 s3, s9;
	s6 =	sadd.s32 @!p0 $0x88, s6;
	s7 =	simm.s32 @p2 $0x1082  }
0x22: {  	[simem:s7], [sflag:s8] =	dma.local @!p0 [hbm:s6], $0xF7A  }
0x23: {  	s9 =	sor.u32 $0xD0000000, s2;
	s6 =	simm.s32 $0x108;
	_ =	swait.ge @!p0 [sflag:s8], $0x0  }
0x24: {  	s3 =	sadd.s32 $0x88, s3;
	s6 =	simm.s32 @!p1 $0x1082;
	[sflag:s4] =	ssyncset.s32 $0xFFFFF086  }
0x25: {  	[simem:s6], [sflag:s4] =	dma.local [hbm:s3], $0xF7A  }
0x26: {  	[smem:$0x3F96] =	sst s1;
	(tag) =	ssettag s2;
	_ =	strace s9  }
0x27: {  	s1 =	sld [smem:$0x3FA6]  }
0x28: {  	s2 =	sld [smem:$0x3FA7]  }
0x29: {  	s4 =	sld [smem:$0x3FA9]  }
0x2a: {  	p0 =	seq.s32 s5, $0x0;
	s5 =	sld [smem:$0x3FAA]  }
0x2b: {  	s6 =	sld [smem:$0x3FAB]  }
0x2c: {  	s7 =	sld [smem:$0x3FAC]  }
0x2d: {  	s3 =	simm.s32 $0x108;
	s8 =	sld [smem:$0x3FAD]  }
0x2e: {  	s3 =	simm.s32 @!p0 $0x1082;
	s9 =	sld [smem:$0x3FAE]  }
0x2f: {  	lr =	sadd.s32 s0, s3;
	s0 =	sld [smem:$0x3FA5]  }
0x30: {  	s3 =	sld [smem:$0x3FA8]  }
0x31: {  	[smem:$0x3FB1] =	sst s10  }
0x32: {  	s10 =	sld [smem:$0x3FAF];
	_ =	sdelay $0x3  }
0x33: {  	p0 =	seq.s32 s10, $0x1;
	s10 =	sld [smem:$0x3FB1];
	_ =	sdelay $0x3  }
0x34: {  	[smem:$0x3FB1] =	sst s10  }
0x35: {  	s10 =	sld [smem:$0x3FB0];
	_ =	sdelay $0x3  }
0x36: {  	p1 =	seq.s32 s10, $0x1;
	s10 =	sld [smem:$0x3FB1];
	_ =	sdelay $0x3  }
0x37: {  	[smem:$0x3FB1] =	sst s10  }
0x38: {  	s10 =	sld [smem:$0x3FB2]  }
0x39: {  	_ = 	snop;
	(pc) =	sbr.ind lr, $3  }
0x3a: {  	_ = 	snop  }
0x3b: {  	_ = 	snop  }
0x3c: {  	p2 =	seq.s32 s10, $0x1;
	s10 =	sld [smem:$0x3FB1]  }
0x3d: {  	_ =	shalt  }
0x3e: {  	_ =	shalt  }
0x3f: {  	_ =	shalt  }
0x40: {  	_ =	shalt  }
0x41: {  	_ =	shalt  }
0x42: {  	_ =	shalt  }
0x43: {  	_ =	shalt  }
0x44: {  	_ =	shalt  }
0x45: {  	_ =	shalt  }
0x46: {  	_ =	shalt  }
0x47: {  	_ =	shalt  }
0x48: {  	_ =	shalt  }
0x49: {  	_ =	shalt  }
0x4a: {  	_ =	shalt  }
0x4b: {  	_ =	shalt  }
0x4c: {  	_ =	shalt  }
0x4d: {  	_ =	shalt  }
0x4e: {  	_ =	shalt  }
0x4f: {  	_ =	shalt  }
0x50: {  	_ =	shalt  }
0x51: {  	_ =	shalt  }
0x52: {  	_ =	shalt  }
0x53: {  	_ =	shalt  }
0x54: {  	_ =	shalt  }
0x55: {  	_ =	shalt  }
0x56: {  	_ =	shalt  }
0x57: {  	_ =	shalt  }
0x58: {  	_ =	shalt  }
0x59: {  	_ =	shalt  }
0x5a: {  	_ =	shalt  }
0x5b: {  	_ =	shalt  }
0x5c: {  	_ =	shalt  }
0x5d: {  	_ =	shalt  }
0x5e: {  	_ =	shalt  }
0x5f: {  	_ =	shalt  }
0x60: {  	_ =	shalt  }
0x61: {  	_ =	shalt  }
0x62: {  	_ =	shalt  }
0x63: {  	_ =	shalt  }
0x64: {  	_ =	shalt  }
0x65: {  	_ =	shalt  }
0x66: {  	_ =	shalt  }
0x67: {  	_ =	shalt  }
0x68: {  	_ =	shalt  }
0x69: {  	_ =	shalt  }
0x6a: {  	_ =	shalt  }
0x6b: {  	_ =	shalt  }
0x6c: {  	_ =	shalt  }
0x6d: {  	_ =	shalt  }
0x6e: {  	_ =	shalt  }
0x6f: {  	_ =	shalt  }
0x70: {  	_ =	shalt  }
0x71: {  	_ =	shalt  }
0x72: {  	_ =	shalt  }
0x73: {  	_ =	shalt  }
0x74: {  	_ =	shalt  }
0x75: {  	_ =	shalt  }
0x76: {  	_ =	shalt  }
0x77: {  	_ =	shalt  }
0x78: {  	_ =	shalt  }
0x79: {  	_ =	shalt  }
0x7a: {  	_ =	shalt  }
0x7b: {  	_ =	shalt  }
0x7c: {  	_ =	shalt  }
0x7d: {  	_ =	shalt  }
0x7e: {  	_ =	shalt  }
0x7f: {  	_ =	shalt  }
0x80: {  	_ =	shalt  }
0x81: {  	_ =	shalt  }
0x82: {  	_ =	shalt  }
0x83: {  	_ =	shalt  }
0x84: {  	_ =	shalt  }
0x85: {  	_ =	shalt  }
0x86: {  	_ =	shalt  }
0x87: {  	_ =	shalt  }
.Lfunc_end0:
.L_simem_size_0:
called_computation_lowered:
.L_overlay_start_0:
0x88: {  	s2 =	sld [smem:$0x3FD9]  }
0x89: {  	s3 =	sld [smem:$0x3FFE];
	_ =	sdelay $0x1  }
0x8a: {  	s1 =	srdreg.scid  }
0x8b: {  	s0 =	sand.u32 $0x1, s1  }
0x8c: {  	s17 =	sshll.u32 s0, $0xA;
	s2 =	sadd.s32 s3, s2  }
0x8d: {  	s2 =	sadd.s32 s2, s17  }
0x8e: {  	[smem:$0x3FBD] =	sst s2  }
0x8f: {  	_ = 	snop  }
0x90: {  	s2 =	sld [smem:$0x3FC9];
	(tm) =	ssettm $0x1  }
0x91: {  	s18 =	sld [smem:$0x3FFB];
	_ =	sdelay $0x3  }
0x92: {  	_ =	strace s18  }
0x93: {  	s3 =	sld [smem:$0x3FFC];
	_ =	sdelay $0x3  }
0x94: {  	_ =	strace s3  }
0x95: {  	s3 =	sld [smem:$0x3FFD];
	_ =	sdelay $0x3  }
0x96: {  	_ =	strace s3  }
0x97: {  	_ =	strace $0x8FFFFFFF  }
0x98: {  	s19 =	sld [smem:$0x3FDB];
	_ =	sdelay $0x1  }
0x99: {  	s4 =	simm.s32 $_scs_section_size  }
0x9a: {  	s5 =	simm.s32 $_size__tile_overlayer_lowered;
	s6 =	simm.s32 $_tile_overlayer_lowered  }
0x9b: {  	s22 =	simm.s32 $0x1BFF;
	s21 =	sshll.u32 s6, $0x1;
	s3 =	sadd.s32 s4, s19  }
0x9c: {  	s7 =	simm.s32 $0x0;
	s20 =	sshll.u32 s5, $0x1;
	s5 =	sadd.s32 s21, s3  }
0x9d: {  	[timem:s7], [sflag:s22] =	dma.local [hbm:s5], s20  }
0x9e: {  	_ =	swait.ge [sflag:s22], s20  }
0x9f: {  	s4 =	ssub.s32 $0x0, s20;
	[sflag:s22] =	ssyncset.done $0x0  }
0xa0: {  	[sflag:s22] =	ssyncadd.s32 s4;
	_ =	sdelay $0x1  }
0xa1: {  	s23 =	simm.s32 $0x1B8B  }
0xa2: {  	_ =	swait.ge [sflag:s23], $0x1  }
0xa3: {  	[sflag:s23] =	ssyncset.done $0x0  }
0xa4: {  	s25 =	simm.s32 $0x1B8E;
	s24 =	sld [smem:$0x3FFE];
	[sflag:s23] =	ssyncadd.s32 $0xFFFFFFFF  }
0xa5: {  	s26 =	simm.s32 $execute0_lowered;
	[smem:$0x3FD2] =	sst s25  }
0xa6: {  	s5 =	sshll.u32 s26, $0x1;
	_ =	strace $0x80000046;
	[dreg:$0x1] =	wrdreg $0xFFFFFFFF  }
0xa7: {  	s28 =	simm.s32 $_size_execute0_lowered;
	s3 =	sadd.s32 s3, s5;
	[dreg:$0x0] =	wrdreg $0x0  }
0xa8: {  	s5 =	sshll.u32 s28, $0x1;
	[dreg:$0x2] =	wrdreg s3  }
0xa9: {  	[dreg:$0x3] =	wrdreg s5  }
0xaa: {  	[dreg:$0x4] =	wrdreg $0xC0  }
0xab: {  	_ =	task [dreg:s7], $0x5FFFF  }
0xac: {  	[dreg:$0x1] =	wrdreg $0xFFFFFFFF  }
0xad: {  	[dreg:$0x0] =	wrdreg $0x60  }
0xae: {  	[dreg:$0x2] =	wrdreg s2  }
0xaf: {  	[dreg:$0x3] =	wrdreg s24  }
0xb0: {  	[dreg:$0x4] =	wrdreg $0x150000  }
0xb1: {  	[dreg:$0x5] =	wrdreg $0x9  }
0xb2: {  	_ =	task.clear_ibuf [dreg:s7], $0x6FFFF;
	_ =	strace $0x90000046  }
0xb3: {  	s29 =	simm.s32 $0x9;
	_ =	strace $0x80000048  }
0xb4: {  	_ =	swait.ge [sflag:s29], $0x1  }
0xb5: {  	[sflag:s29] =	ssyncadd.s32 $0xFFFFFFFF  }
0xb6: {  	_ =	strace $0x90000048  }
0xb7: {  	_ =	sfence  }
0xb8: {  	s30 =	sld [smem:$0x0];
	_ =	sdelay $0x2  }
0xb9: {  	s31 =	sshll.u32 s1, $0xD;
	s1 =	sshrl.u32 s1, $0x2  }
0xba: {  	s3 =	sand.u32 $0x4000, s31;
	s1 =	sadd.s32 s1, s30  }
0xbb: {  	s0 =	sor.u32 s3, s0;
	s1 =	sshll.u32 s1, $0x11  }
0xbc: {  	s0 =	sor.u32 s1, s0  }
0xbd: {  	s0 =	sadd.s32 $0x8F2B, s0  }
0xbe: {  	[sflag:s0] =	ssyncadd.remote.s32 $0x1  }
0xbf: {  	_ =	sfence.sel $0xFFFF  }
0xc0: {  	[dreg:$0x0] =	wrdreg $0xFFFFFFFF;
	(pc) =	sbr.abs _section_cstart, $3  }
0xc1: {  	[dreg:$0x1] =	wrdreg $0xFFFFFFFF  }
0xc2: {  	_ =	task.clear_ibuf [dreg:s7], $0x2FFFF;
	_ =	strace $0x9FFFFFFF  }
0xc3: {  	(tm) =	ssettm $0x7FFFFFFF  }
tec
execute0_lowered:
.L_overlay_start_1:
0x0: {  	(tag) =	ssettag $0x1  }
0x1: {  	s1 =	rddreg [dreg:$0x0]  }
0x2: {  	s0 =	srdreg.scid;
	s5 =	rddreg [dreg:$0x1]  }
0x3: {  	s9 =	stileid.u32;
	s3 =	rddreg [dreg:$0x2];
	s4 =	simm.s32 $0x0  }
0x4: {  	s20 =	simm.s32 $0x3;
	s22 =	simm.s32 $0x11000;
	s6 =	smul.u32 $0x500, s9  }
0x5: {  	s23 =	simm.s32 $0x80;
	s24 =	simm.s32 $0x5000;
	s7 =	smul.u32 $0x148, s9  }
0x6: {  	s28 =	simm.s32 $0x2;
	s0 =	sand.u32 $0x1, s0;
	s25 =	smul.u32 $0x2C000, s9  }
0x7: {  	[smem:$0x7FF] =	sst s4;
	s2 =	sshll.u32 s0, $0x4;
	s8 =	smul.u32 $0x1800, s0  }
0x8: {  	_ =	strace $0x80000047;
	s0 =	ssub.s32 $0x2, s0;
	s2 =	sor.u32 s9, s2  }
0x9: {  	s6 =	sadd.s32 s6, s5;
	s26 =	sshrl.u32 s0, $0x1;
	s9 =	smul.u32 $0x29000, s9  }
0xa: {  	s30 =	sshrl.u32 s25, $0x2;
	s25 =	simm.s32 $0x9000;
	s2 =	smul.u32 $0x500, s2  }
0xb: {  	s7 =	sadd.s32 s7, s8;
	s0 =	ssub.s32 s0, s26;
	s29 =	sadd.s32 $0xC200, s6  }
0xc: {  	s26 =	simm.s32 $0x1;
	s7 =	sshll.u32 s7, $0x4;
	[dreg:$0x4] =	wrdreg s29  }
0xd: {  	s31 =	sshrl.u32 s9, $0x2;
	s19 =	smax.u32 s0, $0x1;
	s2 =	sadd.s32 s2, s5  }
0xe: {  	s18 =	sadd.s32 s7, s5;
	s7 =	sadd.s32 s30, s3;
	s10 =	sadd.s32 s31, s3  }
0xf: {  	s6 =	sadd.s32 $0x2200, s2;
	s8 =	sadd.s32 $0x4000, s7;
	s9 =	sadd.s32 $0x8000, s7  }
0x10: {  	s11 =	sadd.s32 $0x11200, s18;
	s12 =	sadd.s32 $0x4000, s10;
	s13 =	sadd.s32 $0x11A00, s18  }
0x11: {  	s14 =	sadd.s32 $0x8000, s10;
	s15 =	sadd.s32 $0x12200, s18;
	s16 =	sadd.s32 $0x41200, s18  }
0x12: {  	v0 =	vimm.f32 $0.0e+00;
	v1 =	vimm.f32 $1.000000000e+00;
	s17 =	sadd.s32 $0x41A00, s18;
	s18 =	sadd.s32 $0x42200, s18;
	s2 =	simm.s32 $0xD000  }
.LBB2_1:
0x13: {  	s0 =	simm.s32 $0x0;
	s21 =	simm.s32 $0x200  }
.LBB2_2:
0x14: {  	p0 =	sne.s32 s21, $0xFE00;
	[tilespmem:s0+$0x11070] =	vst v0  }
0x15: {  	[tilespmem:s0+$0x11000] =	vst v0  }
0x16: {  	[tilespmem:s0+$0x11010] =	vst v0  }
.Ltmp0:
0x17: {  	[tilespmem:s0+$0x11020] =	vst v0;
	(pc) =	sbr.rel @p0 .LBB2_2-.Ltmp0, $4  }
0x18: {  	[tilespmem:s0+$0x11030] =	vst v0  }
0x19: {  	[tilespmem:s0+$0x11040] =	vst v0  }
0x1a: {  	[tilespmem:s0+$0x11050] =	vst v0  }
0x1b: {  	[tilespmem:s0+$0x11060] =	vst v0;
	s0 =	sshra.s32 s21, $0x2;
	s21 =	sadd.s32 $0x200, s21  }
0x1c: {  	[tilespmem:s0+$0x11070] =	vst v0  }
0x1d: {  	[tilespmem:s0+$0x11000] =	vst v0  }
0x1e: {  	[tilespmem:s0+$0x11010] =	vst v0  }
0x1f: {  	[tilespmem:s0+$0x11020] =	vst v0  }
0x20: {  	[tilespmem:s0+$0x11030] =	vst v0  }
0x21: {  	[tilespmem:s0+$0x11040] =	vst v0  }
0x22: {  	[tilespmem:s0+$0x11050] =	vst v0  }
0x23: {  	[tilespmem:s0+$0x11060] =	vst v0;
	s0 =	simm.s32 $0x0;
	s21 =	simm.s32 $0x200  }
.LBB2_4:
0x24: {  	p0 =	sne.s32 s21, $0xFE00;
	[tilespmem:s0+$0xD070] =	vst v1  }
0x25: {  	[tilespmem:s0+$0xD000] =	vst v1  }
0x26: {  	[tilespmem:s0+$0xD010] =	vst v1  }
.Ltmp1:
0x27: {  	[tilespmem:s0+$0xD020] =	vst v1;
	(pc) =	sbr.rel @p0 .LBB2_4-.Ltmp1, $4  }
0x28: {  	[tilespmem:s0+$0xD030] =	vst v1  }
0x29: {  	[tilespmem:s0+$0xD040] =	vst v1  }
0x2a: {  	[tilespmem:s0+$0xD050] =	vst v1  }
0x2b: {  	[tilespmem:s0+$0xD060] =	vst v1;
	s0 =	sshra.s32 s21, $0x2;
	s21 =	sadd.s32 $0x200, s21  }
0x2c: {  	[tilespmem:s0+$0xD070] =	vst v1  }
0x2d: {  	[tilespmem:s0+$0xD000] =	vst v1  }
0x2e: {  	[tilespmem:s0+$0xD010] =	vst v1  }
0x2f: {  	[tilespmem:s0+$0xD020] =	vst v1  }
0x30: {  	[tilespmem:s0+$0xD030] =	vst v1  }
0x31: {  	[tilespmem:s0+$0xD040] =	vst v1  }
0x32: {  	[tilespmem:s0+$0xD050] =	vst v1  }
0x33: {  	[tilespmem:s0+$0xD060] =	vst v1;
	s30 =	simm.s32 $0x0;
	s5 =	rddreg [dreg:$0x4]  }
0x34: {  	[tilespmem:s30], [sflag:$0x3] =	stream.linear.gather [hbm4b:s5+s30], $0x2800, $0x38;
	v63 =	vld [tilespmem:$0x0]  }
0x35: {  	_ =	swait.ge [sflag:s20], $0x2800  }
0x36: {  	[sflag:s20] =	ssyncset.done $0x0  }
0x37: {  	s31 =	simm.s32 $0x2800;
	[sflag:s20] =	ssyncadd.s32 $0xFFFFD800  }
0x38: {  	[tilespmem:s31], [sflag:$0x3] =	stream.linear.gather [hbm4b:s6+s30], $0x2800, $0x38;
	v63 =	vld [tilespmem:$0x0]  }
0x39: {  	_ =	swait.ge [sflag:s20], $0x2800  }
0x3a: {  	[sflag:s20] =	ssyncset.done $0x0  }
0x3b: {  	[sflag:s20] =	ssyncadd.s32 $0xFFFFD800  }
0x3c: {  	[spmem:s7] =	stream.linear.scatter [tilespmem:s22], [sflag:$0x3], $0x4000, $0x38;
	v63 =	vld [tilespmem:$0x0]  }
0x3d: {  	_ =	swait.ge [sflag:s20], $0x4000  }
0x3e: {  	[sflag:s20] =	ssyncset.done $0x0  }
0x3f: {  	[sflag:s20] =	ssyncadd.s32 $0xFFFFC000  }
0x40: {  	[spmem:s8] =	stream.linear.scatter [tilespmem:s22], [sflag:$0x3], $0x4000, $0x38;
	v63 =	vld [tilespmem:$0x0]  }
0x41: {  	_ =	swait.ge [sflag:s20], $0x4000  }
0x42: {  	[sflag:s20] =	ssyncset.done $0x0  }
0x43: {  	[sflag:s20] =	ssyncadd.s32 $0xFFFFC000  }
0x44: {  	[spmem:s9] =	stream.linear.scatter [tilespmem:s22], [sflag:$0x3], $0x3000, $0x38;
	v63 =	vld [tilespmem:$0x0]  }
0x45: {  	_ =	swait.ge [sflag:s20], $0x3000  }
0x46: {  	[sflag:s20] =	ssyncset.done $0x0  }
0x47: {  	[sflag:s20] =	ssyncadd.s32 $0xFFFFD000  }
0x48: {  	[bflag:$0x0] =	sbarrier.arrive $0xFFFF  }
0x49: {  	[tilespmem:s24], [sflag:$0x1] =	stream.indirect.gather [hbm4b:s1+s23], $0x80, s30, s23, $0xb8;
	v63 =	vld [tilespmem:$0x0]  }
0x4a: {  	s21 =	simm.s32 $0x80  }
0x4b: {  	[tilespmem:s25], [sflag:$0x2] =	stream.indirect.gather [hbm4b:s1+s23], $0x80, s21, s23, $0xb8;
	v63 =	vld [tilespmem:$0x0]  }
0x4c: {  	_ =	swait.ge [sflag:s26], $0x4000  }
0x4d: {  	[sflag:s26] =	ssyncset.done $0x0  }
0x4e: {  	s29 =	simm.s32 $0x2800;
	[sflag:s26] =	ssyncadd.s32 $0xFFFFC000  }
0x4f: {  	[spmem:s3] =	stream.indirect.scatter.add.f32 [tilespmem:s24], [sflag:$0x3], $0x80, s29, s23, $0xb8;
	v63 =	vld [tilespmem:$0x0]  }
0x50: {  	_ =	swait.ge [sflag:s20], $0x4000  }
0x51: {  	[sflag:s20] =	ssyncset.done $0x0  }
0x52: {  	s30 =	simm.s32 $0x100;
	[sflag:s20] =	ssyncadd.s32 $0xFFFFC000  }
0x53: {  	[tilespmem:s24], [sflag:$0x1] =	stream.indirect.gather [hbm4b:s1+s23], $0x80, s30, s23, $0xb8;
	v63 =	vld [tilespmem:$0x0]  }
0x54: {  	_ =	swait.ge [sflag:s28], $0x4000  }
0x55: {  	[sflag:s28] =	ssyncset.done $0x0  }
0x56: {  	s31 =	simm.s32 $0x2880;
	[sflag:s28] =	ssyncadd.s32 $0xFFFFC000  }
0x57: {  	[spmem:s3] =	stream.indirect.scatter.add.f32 [tilespmem:s25], [sflag:$0x3], $0x80, s31, s23, $0xb8;
	v63 =	vld [tilespmem:$0x0]  }
0x58: {  	_ =	swait.ge [sflag:s20], $0x4000  }
0x59: {  	s0 =	simm.s32 $0x800;
	s21 =	simm.s32 $0x100;
	[sflag:s20] =	ssyncset.done $0x0  }
.LBB2_6:
0x5a: {  	s29 =	sadd.s32 $0x80, s21  }
0x5b: {  	[sflag:s20] =	ssyncadd.s32 $0xFFFFC000;
	s30 =	smov.u32 s0;
	s31 =	sadd.s32 $0x400, s0  }
0x5c: {  	[tilespmem:s25], [sflag:$0x2] =	stream.indirect.gather [hbm4b:s1+s23], $0x80, s29, s23, $0xb8;
	v63 =	vld [tilespmem:$0x0]  }
0x5d: {  	p0 =	sne.s32 s0, $0x9800;
	_ =	swait.ge [sflag:s26], $0x4000  }
0x5e: {  	[sflag:s26] =	ssyncset.done $0x0  }
0x5f: {  	s0 =	sadd.s32 $0x2800, s21;
	[sflag:s26] =	ssyncadd.s32 $0xFFFFC000  }
0x60: {  	[spmem:s3] =	stream.indirect.scatter.add.f32 [tilespmem:s24], [sflag:$0x3], $0x80, s0, s23, $0xb8;
	v63 =	vld [tilespmem:$0x0]  }
0x61: {  	_ =	swait.ge [sflag:s20], $0x4000  }
0x62: {  	[sflag:s20] =	ssyncset.done $0x0  }
0x63: {  	s0 =	sadd.s32 $0x100, s21;
	[sflag:s20] =	ssyncadd.s32 $0xFFFFC000  }
0x64: {  	[tilespmem:s24], [sflag:$0x1] =	stream.indirect.gather [hbm4b:s1+s23], $0x80, s0, s23, $0xb8;
	v63 =	vld [tilespmem:$0x0]  }
0x65: {  	_ =	swait.ge [sflag:s28], $0x4000  }
.Ltmp2:
0x66: {  	[sflag:s28] =	ssyncset.done $0x0;
	(pc) =	sbr.rel @p0 .LBB2_6-.Ltmp2, $4  }
0x67: {  	s0 =	sadd.s32 $0x2880, s21;
	[sflag:s28] =	ssyncadd.s32 $0xFFFFC000  }
0x68: {  	[spmem:s3] =	stream.indirect.scatter.add.f32 [tilespmem:s25], [sflag:$0x3], $0x80, s0, s23, $0xb8;
	v63 =	vld [tilespmem:$0x0]  }
0x69: {  	_ =	swait.ge [sflag:s20], $0x4000  }
0x6a: {  	s21 =	sshra.s32 s30, $0x2;
	s0 =	smov.u32 s31;
	[sflag:s20] =	ssyncset.done $0x0  }
0x6b: {  	s0 =	sadd.s32 $0x80, s21;
	[sflag:s20] =	ssyncadd.s32 $0xFFFFC000  }
0x6c: {  	[tilespmem:s25], [sflag:$0x2] =	stream.indirect.gather [hbm4b:s1+s23], $0x80, s0, s23, $0xb8;
	v63 =	vld [tilespmem:$0x0]  }
0x6d: {  	_ =	swait.ge [sflag:s26], $0x4000  }
0x6e: {  	[sflag:s26] =	ssyncset.done $0x0  }
0x6f: {  	s5 =	sadd.s32 $0x2800, s21;
	[sflag:s26] =	ssyncadd.s32 $0xFFFFC000  }
0x70: {  	[spmem:s3] =	stream.indirect.scatter.add.f32 [tilespmem:s24], [sflag:$0x3], $0x80, s5, s23, $0xb8;
	v63 =	vld [tilespmem:$0x0]  }
0x71: {  	_ =	swait.ge [sflag:s20], $0x4000  }
0x72: {  	[sflag:s20] =	ssyncset.done $0x0  }
0x73: {  	s5 =	sadd.s32 $0x100, s21;
	[sflag:s20] =	ssyncadd.s32 $0xFFFFC000  }
0x74: {  	[tilespmem:s24], [sflag:$0x1] =	stream.indirect.gather [hbm4b:s1+s23], $0x80, s5, s23, $0xb8;
	v63 =	vld [tilespmem:$0x0]  }
0x75: {  	_ =	swait.ge [sflag:s28], $0x4000  }
0x76: {  	[sflag:s28] =	ssyncset.done $0x0  }
0x77: {  	s21 =	sadd.s32 $0x2880, s21;
	[sflag:s28] =	ssyncadd.s32 $0xFFFFC000  }
0x78: {  	[spmem:s3] =	stream.indirect.scatter.add.f32 [tilespmem:s25], [sflag:$0x3], $0x80, s21, s23, $0xb8;
	v63 =	vld [tilespmem:$0x0]  }
0x79: {  	_ =	swait.ge [sflag:s20], $0x4000  }
0x7a: {  	[sflag:s20] =	ssyncset.done $0x0  }
0x7b: {  	s5 =	simm.s32 $0x2780;
	[sflag:s20] =	ssyncadd.s32 $0xFFFFC000  }
0x7c: {  	[tilespmem:s25], [sflag:$0x2] =	stream.indirect.gather [hbm4b:s1+s23], $0x80, s5, s23, $0xb8;
	v63 =	vld [tilespmem:$0x0]  }
0x7d: {  	_ =	swait.ge [sflag:s26], $0x4000  }
0x7e: {  	[sflag:s26] =	ssyncset.done $0x0  }
0x7f: {  	s21 =	simm.s32 $0x4F00;
	[sflag:s26] =	ssyncadd.s32 $0xFFFFC000  }
0x80: {  	[spmem:s3] =	stream.indirect.scatter.add.f32 [tilespmem:s24], [sflag:$0x3], $0x80, s21, s23, $0xb8;
	v63 =	vld [tilespmem:$0x0]  }
0x81: {  	_ =	swait.ge [sflag:s20], $0x4000  }
0x82: {  	[sflag:s20] =	ssyncset.done $0x0  }
0x83: {  	[sflag:s20] =	ssyncadd.s32 $0xFFFFC000  }
0x84: {  	_ =	swait.ge [sflag:s28], $0x4000  }
0x85: {  	[sflag:s28] =	ssyncset.done $0x0  }
0x86: {  	s5 =	simm.s32 $0x4F80;
	[sflag:s28] =	ssyncadd.s32 $0xFFFFC000  }
0x87: {  	[spmem:s3] =	stream.indirect.scatter.add.f32 [tilespmem:s25], [sflag:$0x3], $0x80, s5, s23, $0xb8;
	v63 =	vld [tilespmem:$0x0]  }
0x88: {  	_ =	swait.ge [sflag:s20], $0x4000  }
0x89: {  	s21 =	stileid.u32;
	[sflag:s20] =	ssyncset.done $0x0  }
0x8a: {  	s0 =	sshll.u32 s21, $0x6;
	[sflag:s20] =	ssyncadd.s32 $0xFFFFC000  }
0x8b: {  	s29 =	sshrl.u32 s10, $0x3;
	s21 =	sor.u32 $0x1C03, s0;
	[bflag:$0x0] =	sbarrier.arrive $0xFFFF  }
0x8c: {  	[hbm:s11], [sflag:s21] =	dma.local [spmem:s29], $0x800  }
0x8d: {  	_ =	swait.ge [sflag:s20], $0x800  }
0x8e: {  	[sflag:s20] =	ssyncset.done $0x0  }
0x8f: {  	s0 =	sshrl.u32 s12, $0x3;
	[sflag:s20] =	ssyncadd.s32 $0xFFFFF800  }
0x90: {  	[hbm:s13], [sflag:s21] =	dma.local [spmem:s0], $0x800  }
0x91: {  	_ =	swait.ge [sflag:s20], $0x800  }
0x92: {  	[sflag:s20] =	ssyncset.done $0x0  }
0x93: {  	s30 =	sshrl.u32 s14, $0x3;
	[sflag:s20] =	ssyncadd.s32 $0xFFFFF800  }
0x94: {  	[hbm:s15], [sflag:s21] =	dma.local [spmem:s30], $0x480  }
0x95: {  	_ =	swait.ge [sflag:s20], $0x480  }
0x96: {  	[sflag:s20] =	ssyncset.done $0x0  }
0x97: {  	[sflag:s20] =	ssyncadd.s32 $0xFFFFFB80  }
0x98: {  	[spmem:s7] =	stream.linear.scatter [tilespmem:s22], [sflag:$0x3], $0x4000, $0x38;
	v63 =	vld [tilespmem:$0x0]  }
0x99: {  	_ =	swait.ge [sflag:s20], $0x4000  }
0x9a: {  	[sflag:s20] =	ssyncset.done $0x0  }
0x9b: {  	[sflag:s20] =	ssyncadd.s32 $0xFFFFC000  }
0x9c: {  	[spmem:s8] =	stream.linear.scatter [tilespmem:s22], [sflag:$0x3], $0x4000, $0x38;
	v63 =	vld [tilespmem:$0x0]  }
0x9d: {  	_ =	swait.ge [sflag:s20], $0x4000  }
0x9e: {  	[sflag:s20] =	ssyncset.done $0x0  }
0x9f: {  	[sflag:s20] =	ssyncadd.s32 $0xFFFFC000  }
0xa0: {  	[spmem:s9] =	stream.linear.scatter [tilespmem:s22], [sflag:$0x3], $0x3000, $0x38;
	v63 =	vld [tilespmem:$0x0]  }
0xa1: {  	_ =	swait.ge [sflag:s20], $0x3000  }
0xa2: {  	[sflag:s20] =	ssyncset.done $0x0  }
0xa3: {  	[sflag:s20] =	ssyncadd.s32 $0xFFFFD000  }
0xa4: {  	s31 =	simm.s32 $0x2800;
	[bflag:$0x0] =	sbarrier.arrive $0xFFFF  }
0xa5: {  	[spmem:s3] =	stream.indirect.scatter.add.f32 [tilespmem:s2], [sflag:$0x3], $0x80, s31, s23, $0xb8;
	v63 =	vld [tilespmem:$0x0]  }
0xa6: {  	s31 =	simm.s32 $0x200;
	_ =	swait.ge [sflag:s20], $0x4000  }
.LBB2_8:
0xa7: {  	s5 =	sshra.s32 s31, $0x2;
	[sflag:s20] =	ssyncset.done $0x0;
	p0 =	sne.s32 s31, $0x9E00  }
.Ltmp3:
0xa8: {  	s5 =	sadd.s32 $0x2800, s5;
	[sflag:s20] =	ssyncadd.s32 $0xFFFFC000;
	(pc) =	sbr.rel @p0 .LBB2_8-.Ltmp3, $3  }
0xa9: {  	[spmem:s3] =	stream.indirect.scatter.add.f32 [tilespmem:s2], [sflag:$0x3], $0x80, s5, s23, $0xb8;
	v63 =	vld [tilespmem:$0x0]  }
0xaa: {  	s31 =	sadd.s32 $0x200, s31;
	_ =	sdelay $0x1  }
0xab: {  	_ =	swait.ge [sflag:s20], $0x4000  }
0xac: {  	[sflag:s20] =	ssyncset.done $0x0  }
0xad: {  	[sflag:s20] =	ssyncadd.s32 $0xFFFFC000  }
0xae: {  	[bflag:$0x0] =	sbarrier.arrive $0xFFFF  }
0xaf: {  	[hbm:s16], [sflag:s21] =	dma.local [spmem:s29], $0x800  }
0xb0: {  	_ =	swait.ge [sflag:s20], $0x800  }
0xb1: {  	[sflag:s20] =	ssyncset.done $0x0  }
0xb2: {  	[sflag:s20] =	ssyncadd.s32 $0xFFFFF800  }
0xb3: {  	[hbm:s17], [sflag:s21] =	dma.local [spmem:s0], $0x800  }
0xb4: {  	s4 =	sadd.s32 $0x1, s4;
	_ =	swait.ge [sflag:s20], $0x800  }
0xb5: {  	p0 =	sne.s32 s4, s19;
	[sflag:s20] =	ssyncset.done $0x0  }
.Ltmp4:
0xb6: {  	[sflag:s20] =	ssyncadd.s32 $0xFFFFF800;
	(pc) =	sbr.rel @p0 .LBB2_1-.Ltmp4, $4  }
0xb7: {  	[hbm:s18], [sflag:s21] =	dma.local [spmem:s30], $0x480  }
0xb8: {  	_ =	swait.ge [sflag:s20], $0x480  }
0xb9: {  	[sflag:s20] =	ssyncset.done $0x0  }
0xba: {  	[sflag:s20] =	ssyncadd.s32 $0xFFFFFB80  }
0xbb: {  	_ =	sfence.sel $0x180000  }
0xbc: {  	[bflag:$0x0] =	sbarrier.arrive $0xFFFF  }
0xbd: {  	_ =	strace $0x90000047  }
0xbe: {  	s0 =	stileid.u32;
	[bflag:$0x2] =	sbarrier.arrive $0xFFFF  }
0xbf: {  	p0 =	sne.s32 s0, $0x0;
	s0 =	rddreg [dreg:$0x3]  }
0xc0: {  	s0 =	sadd.s32 @!p0 $0x100000, s0  }
0xc1: {  	[sflag:s0] =	ssyncadd.tile.s32 @!p0 $0x1;
	_ =	shalt  }
.Lfunc_end2:
_tile_overlayer_lowered:
.L_overlay_start_2:
0xc2: {  	(tag) =	ssettag $0x2  }
0xc3: {  	s0 =	rddreg [dreg:$0x0];
	s2 =	stileid.u32  }
0xc4: {  	s1 =	rddreg [dreg:$0x1];
	p0 =	sne.s32 s2, $0x0  }
0xc5: {  	s3 =	rddreg [dreg:$0x2];
	[bflag:$0x3] =	sbarrier.arrive $0xFFFF;
	s2 =	simm.s32 @!p0 $0x1C03  }
0xc6: {  	[timem:s3], [sflag:s2] =	dma.local @!p0 [hbm:s0], s1  }
0xc7: {  	s0 =	simm.s32 @!p0 $0x3  }
0xc8: {  	_ =	swait.ge @!p0 [sflag:s0], s1  }
0xc9: {  	s1 =	ssub.s32 @!p0 $0x0, s1;
	[sflag:s0] =	ssyncset.done @!p0 $0x0  }
0xca: {  	[sflag:s0] =	ssyncadd.s32 @!p0 s1  }
0xcb: {  	[bflag:$0x3] =	sbarrier.arrive $0xFFFF  }
0xcc: {  	_ =	shalt  }

// kernel: kernel.9.cloned.1.call-start
scs
__scs_entry_jumppad:
0x0: {  	(pc) =	sbr.rel $0x88, $3  }
0x1: {  	(tag) =	ssettag $0x0;
	lr =	simm.s32 $0x1  }
0x2: {  	[smem:$0x3F96] =	sst lr;
	_ =	strace $0xD0000000  }
0x3: {  	_ = 	snop  }
0x4: {  	_ = 	snop  }
0x5: {  	_ = 	snop  }
0x6: {  	_ = 	snop  }
0x7: {  	_ = 	snop  }
__scs_overlays_trampoline_lowered:
0x8: {  	[smem:$0x3FA5] =	sst s0  }
0x9: {  	[smem:$0x3FA6] =	sst s1  }
0xa: {  	[smem:$0x3FA7] =	sst s2  }
0xb: {  	[smem:$0x3FA8] =	sst s3  }
0xc: {  	[smem:$0x3FA9] =	sst s4  }
0xd: {  	[smem:$0x3FAA] =	sst s5  }
0xe: {  	[smem:$0x3FAB] =	sst s6  }
0xf: {  	[smem:$0x3FAC] =	sst s7  }
0x10: {  	[smem:$0x3FAD] =	sst s8  }
0x11: {  	[smem:$0x3FAE] =	sst s9;
	s0 =	simm.s32 @!p0 $0x0  }
0x12: {  	s1 =	sld [smem:$0x3F94];
	s0 =	simm.s32 @p0 $0x1  }
0x13: {  	[smem:$0x3FAF] =	sst s0;
	s0 =	simm.s32 @!p1 $0x0  }
0x14: {  	s2 =	sld [smem:$0x3F93];
	s0 =	simm.s32 @p1 $0x1  }
0x15: {  	[smem:$0x3FB0] =	sst s0;
	s0 =	simm.s32 @!p2 $0x0  }
0x16: {  	s3 =	sld [smem:$0x3FDB];
	s0 =	simm.s32 @p2 $0x1  }
0x17: {  	s4 =	simm.s32 $0x1BF5;
	[smem:$0x3FB2] =	sst s0  }
0x18: {  	s0 =	sld [smem:$0x3F95];
	_ =	swait.ge [sflag:s4], $0x0  }
0x19: {  	s7 =	sld [smem:$0x3F96]  }
0x1a: {  	s8 =	sadd.s32 $0xFFFFE003, lr  }
0x1b: {  	s9 =	sadd.s32 $0xFFFFFEF7, lr;
	s5 =	simm.s32 $0xFFFFFFFF;
	p2 =	slt.u32 s8, $0xFFFFF086  }
0x1c: {  	p1 =	slt.u32 s9, $0xF7A;
	s5 =	simm.s32 @!p2 $0x0  }
0x1d: {  	s5 =	simm.s32 @p1 $0x1;
	p0 =	seq.s32 s7, s2  }
0x1e: {  	s7 =	smul.u32 @!p0 $0xF7A, s2;
	p2 =	seq.s32 @!p0 s5, $0x0  }
0x1f: {  	s9 =	smul.u32 $0xF7A, s1;
	s8 =	simm.s32 @!p0 $0x1BF5;
	p2 =	por !p2, p0  }
0x20: {  	[sflag:s8] =	ssyncset.s32 @!p0 $0xFFFFF086;
	s6 =	sadd.s32 @!p0 s3, s7;
	s7 =	simm.s32 @!p0 $0x108  }
0x21: {  	s3 =	sadd.s32 s3, s9;
	s6 =	sadd.s32 @!p0 $0x88, s6;
	s7 =	simm.s32 @p2 $0x1082  }
0x22: {  	[simem:s7], [sflag:s8] =	dma.local @!p0 [hbm:s6], $0xF7A  }
0x23: {  	s9 =	sor.u32 $0xD0000000, s2;
	s6 =	simm.s32 $0x108;
	_ =	swait.ge @!p0 [sflag:s8], $0x0  }
0x24: {  	s3 =	sadd.s32 $0x88, s3;
	s6 =	simm.s32 @!p1 $0x1082;
	[sflag:s4] =	ssyncset.s32 $0xFFFFF086  }
0x25: {  	[simem:s6], [sflag:s4] =	dma.local [hbm:s3], $0xF7A  }
0x26: {  	[smem:$0x3F96] =	sst s1;
	(tag) =	ssettag s2;
	_ =	strace s9  }
0x27: {  	s1 =	sld [smem:$0x3FA6]  }
0x28: {  	s2 =	sld [smem:$0x3FA7]  }
0x29: {  	s4 =	sld [smem:$0x3FA9]  }
0x2a: {  	p0 =	seq.s32 s5, $0x0;
	s5 =	sld [smem:$0x3FAA]  }
0x2b: {  	s6 =	sld [smem:$0x3FAB]  }
0x2c: {  	s7 =	sld [smem:$0x3FAC]  }
0x2d: {  	s3 =	simm.s32 $0x108;
	s8 =	sld [smem:$0x3FAD]  }
0x2e: {  	s3 =	simm.s32 @!p0 $0x1082;
	s9 =	sld [smem:$0x3FAE]  }
0x2f: {  	lr =	sadd.s32 s0, s3;
	s0 =	sld [smem:$0x3FA5]  }
0x30: {  	s3 =	sld [smem:$0x3FA8]  }
0x31: {  	[smem:$0x3FB1] =	sst s10  }
0x32: {  	s10 =	sld [smem:$0x3FAF];
	_ =	sdelay $0x3  }
0x33: {  	p0 =	seq.s32 s10, $0x1;
	s10 =	sld [smem:$0x3FB1];
	_ =	sdelay $0x3  }
0x34: {  	[smem:$0x3FB1] =	sst s10  }
0x35: {  	s10 =	sld [smem:$0x3FB0];
	_ =	sdelay $0x3  }
0x36: {  	p1 =	seq.s32 s10, $0x1;
	s10 =	sld [smem:$0x3FB1];
	_ =	sdelay $0x3  }
0x37: {  	[smem:$0x3FB1] =	sst s10  }
0x38: {  	s10 =	sld [smem:$0x3FB2]  }
0x39: {  	_ = 	snop;
	(pc) =	sbr.ind lr, $3  }
0x3a: {  	_ = 	snop  }
0x3b: {  	_ = 	snop  }
0x3c: {  	p2 =	seq.s32 s10, $0x1;
	s10 =	sld [smem:$0x3FB1]  }
0x3d: {  	_ =	shalt  }
0x3e: {  	_ =	shalt  }
0x3f: {  	_ =	shalt  }
0x40: {  	_ =	shalt  }
0x41: {  	_ =	shalt  }
0x42: {  	_ =	shalt  }
0x43: {  	_ =	shalt  }
0x44: {  	_ =	shalt  }
0x45: {  	_ =	shalt  }
0x46: {  	_ =	shalt  }
0x47: {  	_ =	shalt  }
0x48: {  	_ =	shalt  }
0x49: {  	_ =	shalt  }
0x4a: {  	_ =	shalt  }
0x4b: {  	_ =	shalt  }
0x4c: {  	_ =	shalt  }
0x4d: {  	_ =	shalt  }
0x4e: {  	_ =	shalt  }
0x4f: {  	_ =	shalt  }
0x50: {  	_ =	shalt  }
0x51: {  	_ =	shalt  }
0x52: {  	_ =	shalt  }
0x53: {  	_ =	shalt  }
0x54: {  	_ =	shalt  }
0x55: {  	_ =	shalt  }
0x56: {  	_ =	shalt  }
0x57: {  	_ =	shalt  }
0x58: {  	_ =	shalt  }
0x59: {  	_ =	shalt  }
0x5a: {  	_ =	shalt  }
0x5b: {  	_ =	shalt  }
0x5c: {  	_ =	shalt  }
0x5d: {  	_ =	shalt  }
0x5e: {  	_ =	shalt  }
0x5f: {  	_ =	shalt  }
0x60: {  	_ =	shalt  }
0x61: {  	_ =	shalt  }
0x62: {  	_ =	shalt  }
0x63: {  	_ =	shalt  }
0x64: {  	_ =	shalt  }
0x65: {  	_ =	shalt  }
0x66: {  	_ =	shalt  }
0x67: {  	_ =	shalt  }
0x68: {  	_ =	shalt  }
0x69: {  	_ =	shalt  }
0x6a: {  	_ =	shalt  }
0x6b: {  	_ =	shalt  }
0x6c: {  	_ =	shalt  }
0x6d: {  	_ =	shalt  }
0x6e: {  	_ =	shalt  }
0x6f: {  	_ =	shalt  }
0x70: {  	_ =	shalt  }
0x71: {  	_ =	shalt  }
0x72: {  	_ =	shalt  }
0x73: {  	_ =	shalt  }
0x74: {  	_ =	shalt  }
0x75: {  	_ =	shalt  }
0x76: {  	_ =	shalt  }
0x77: {  	_ =	shalt  }
0x78: {  	_ =	shalt  }
0x79: {  	_ =	shalt  }
0x7a: {  	_ =	shalt  }
0x7b: {  	_ =	shalt  }
0x7c: {  	_ =	shalt  }
0x7d: {  	_ =	shalt  }
0x7e: {  	_ =	shalt  }
0x7f: {  	_ =	shalt  }
0x80: {  	_ =	shalt  }
0x81: {  	_ =	shalt  }
0x82: {  	_ =	shalt  }
0x83: {  	_ =	shalt  }
0x84: {  	_ =	shalt  }
0x85: {  	_ =	shalt  }
0x86: {  	_ =	shalt  }
0x87: {  	_ =	shalt  }
.Lfunc_end0:
.L_simem_size_0:
called_computation.1_lowered:
.L_overlay_start_0:
0x88: {  	s2 =	sld [smem:$0x3FD9]  }
0x89: {  	s3 =	sld [smem:$0x3FFE];
	_ =	sdelay $0x1  }
0x8a: {  	s1 =	srdreg.scid  }
0x8b: {  	s0 =	sand.u32 $0x1, s1  }
0x8c: {  	s17 =	sshll.u32 s0, $0xA;
	s2 =	sadd.s32 s3, s2  }
0x8d: {  	s2 =	sadd.s32 s2, s17  }
0x8e: {  	[smem:$0x3FBD] =	sst s2  }
0x8f: {  	_ = 	snop  }
0x90: {  	s2 =	sld [smem:$0x3FD0];
	(tm) =	ssettm $0x1  }
0x91: {  	s18 =	sld [smem:$0x3FFB];
	_ =	sdelay $0x3  }
0x92: {  	_ =	strace s18  }
0x93: {  	s3 =	sld [smem:$0x3FFC];
	_ =	sdelay $0x3  }
0x94: {  	_ =	strace s3  }
0x95: {  	s3 =	sld [smem:$0x3FFD];
	_ =	sdelay $0x3  }
0x96: {  	_ =	strace s3  }
0x97: {  	_ =	strace $0x8FFFFFFF  }
0x98: {  	s19 =	sld [smem:$0x3FDB];
	_ =	sdelay $0x1  }
0x99: {  	s4 =	simm.s32 $_scs_section_size  }
0x9a: {  	s5 =	simm.s32 $_size__tile_overlayer_lowered;
	s6 =	simm.s32 $_tile_overlayer_lowered  }
0x9b: {  	s22 =	simm.s32 $0x1BFF;
	s21 =	sshll.u32 s6, $0x1;
	s3 =	sadd.s32 s4, s19  }
0x9c: {  	s7 =	simm.s32 $0x0;
	s20 =	sshll.u32 s5, $0x1;
	s5 =	sadd.s32 s21, s3  }
0x9d: {  	[timem:s7], [sflag:s22] =	dma.local [hbm:s5], s20  }
0x9e: {  	_ =	swait.ge [sflag:s22], s20  }
0x9f: {  	s4 =	ssub.s32 $0x0, s20;
	[sflag:s22] =	ssyncset.done $0x0  }
0xa0: {  	[sflag:s22] =	ssyncadd.s32 s4;
	_ =	sdelay $0x1  }
0xa1: {  	s23 =	simm.s32 $0x1B8B  }
0xa2: {  	_ =	swait.ge [sflag:s23], $0x1  }
0xa3: {  	[sflag:s23] =	ssyncset.done $0x0  }
0xa4: {  	s25 =	simm.s32 $0x1B8E;
	s24 =	sld [smem:$0x3FFE];
	[sflag:s23] =	ssyncadd.s32 $0xFFFFFFFF  }
0xa5: {  	s26 =	simm.s32 $execute0_lowered;
	[smem:$0x3FD2] =	sst s25  }
0xa6: {  	s5 =	sshll.u32 s26, $0x1;
	_ =	strace $0x80000049;
	[dreg:$0x1] =	wrdreg $0xFFFFFFFF  }
0xa7: {  	s28 =	simm.s32 $_size_execute0_lowered;
	s3 =	sadd.s32 s3, s5;
	[dreg:$0x0] =	wrdreg $0x0  }
0xa8: {  	s5 =	sshll.u32 s28, $0x1;
	[dreg:$0x2] =	wrdreg s3  }
0xa9: {  	[dreg:$0x3] =	wrdreg s5  }
0xaa: {  	[dreg:$0x4] =	wrdreg $0xC0  }
0xab: {  	_ =	task [dreg:s7], $0x5FFFF  }
0xac: {  	[dreg:$0x1] =	wrdreg $0xFFFFFFFF  }
0xad: {  	[dreg:$0x0] =	wrdreg $0x60  }
0xae: {  	[dreg:$0x2] =	wrdreg s24  }
0xaf: {  	[dreg:$0x3] =	wrdreg s2  }
0xb0: {  	[dreg:$0x4] =	wrdreg $0x108000  }
0xb1: {  	[dreg:$0x5] =	wrdreg $0x14C000  }
0xb2: {  	[dreg:$0x6] =	wrdreg $0x9  }
0xb3: {  	_ =	task.clear_ibuf [dreg:s7], $0x7FFFF;
	_ =	strace $0x90000049  }
0xb4: {  	s29 =	simm.s32 $0x9;
	_ =	strace $0x8000004B  }
0xb5: {  	_ =	swait.ge [sflag:s29], $0x1  }
0xb6: {  	[sflag:s29] =	ssyncadd.s32 $0xFFFFFFFF  }
0xb7: {  	_ =	strace $0x9000004B  }
0xb8: {  	_ =	sfence  }
0xb9: {  	s30 =	sld [smem:$0x0];
	_ =	sdelay $0x2  }
0xba: {  	s31 =	sshll.u32 s1, $0xD;
	s1 =	sshrl.u32 s1, $0x2  }
0xbb: {  	s3 =	sand.u32 $0x4000, s31;
	s1 =	sadd.s32 s1, s30  }
0xbc: {  	s0 =	sor.u32 s3, s0;
	s1 =	sshll.u32 s1, $0x11  }
0xbd: {  	s0 =	sor.u32 s1, s0  }
0xbe: {  	s0 =	sadd.s32 $0x8F2B, s0  }
0xbf: {  	[sflag:s0] =	ssyncadd.remote.s32 $0x1  }
0xc0: {  	_ =	sfence.sel $0xFFFF  }
0xc1: {  	[dreg:$0x0] =	wrdreg $0xFFFFFFFF;
	(pc) =	sbr.abs _section_cstart, $3  }
0xc2: {  	[dreg:$0x1] =	wrdreg $0xFFFFFFFF  }
0xc3: {  	_ =	task.clear_ibuf [dreg:s7], $0x2FFFF;
	_ =	strace $0x9FFFFFFF  }
0xc4: {  	(tm) =	ssettm $0x7FFFFFFF  }
0xc5: {  	_ =	shalt  }
tec
execute0_lowered:
.L_overlay_start_1:
0x0: {  	(tag) =	ssettag $0x1  }
0x1: {  	s0 =	rddreg [dreg:$0x0]  }
0x2: {  	s3 =	rddreg [dreg:$0x1]  }
0x3: {  	s1 =	rddreg [dreg:$0x2]  }
0x4: {  	s2 =	rddreg [dreg:$0x3]  }
0x5: {  	s4 =	simm.s32 $0x0;
	s5 =	srdreg.scid;
	s10 =	stileid.u32  }
0x6: {  	s15 =	simm.s32 $0x3;
	s16 =	simm.s32 $0xC800;
	s17 =	simm.s32 $0x400  }
0x7: {  	s18 =	simm.s32 $0x80;
	s19 =	simm.s32 $0x800;
	s20 =	simm.s32 $0x4800  }
0x8: {  	s28 =	simm.s32 $0x480;
	s30 =	simm.s32 $0x500;
	s31 =	simm.s32 $0x680  }
0x9: {  	s29 =	simm.s32 $0x700;
	[smem:$0x7FF] =	sst s4;
	s6 =	sand.u32 $0x1, s5  }
0xa: {  	s5 =	sadd.s32 $0x2200, s0;
	s7 =	sshll.u32 s10, $0x8;
	s21 =	sshll.u32 s10, $0xE  }
0xb: {  	s10 =	smul.u32 $0x4400, s10;
	_ =	strace $0x8000004A;
	s8 =	sshll.u32 s6, $0x7  }
0xc: {  	s9 =	sshll.u32 s6, $0x12;
	s6 =	ssub.s32 $0x2, s6;
	s25 =	sadd.s32 s21, s1  }
0xd: {  	s26 =	sadd.s32 s21, s2;
	s7 =	sor.u32 s8, s7;
	s9 =	sor.u32 s21, s9  }
0xe: {  	s12 =	sshrl.u32 s6, $0x1;
	s22 =	sadd.s32 $0x4000, s10;
	s23 =	sadd.s32 s10, s1  }
0xf: {  	s21 =	simm.s32 $0x1;
	s11 =	sadd.s32 s7, s0;
	s9 =	sshrl.u32 s9, $0x3  }
0x10: {  	s6 =	ssub.s32 s6, s12;
	s3 =	sadd.s32 s3, s7;
	[dreg:$0x6] =	wrdreg s23  }
0x11: {  	s24 =	sadd.s32 s22, s1;
	s23 =	simm.s32 $0x600;
	[dreg:$0x5] =	wrdreg s3  }
0x12: {  	s0 =	sadd.s32 s9, s0;
	[dreg:$0x7] =	wrdreg s24;
	s9 =	sadd.s32 s10, s2  }
0x13: {  	s10 =	sadd.s32 s22, s2;
	s11 =	sadd.s32 $0x71200, s11;
	s14 =	smax.u32 s6, $0x1  }
0x14: {  	s22 =	simm.s32 $0x8800;
	s24 =	sshrl.u32 s25, $0x3;
	s25 =	sshrl.u32 s26, $0x3  }
0x15: {  	s26 =	simm.s32 $0x2;
	s3 =	simm.s32 $0x780;
	s6 =	simm.s32 $0x0  }
0x16: {  	v0 =	vimm.f32 $0.0e+00;
	v1 =	vimm.f32 $1.000000000e+00;
	s12 =	sadd.s32 $0x2A200, s0;
	s13 =	sadd.s32 $0x3A200, s0;
	s0 =	simm.s32 $0x580  }
.LBB2_1:
0x17: {  	s7 =	simm.s32 $0x0;
	s8 =	simm.s32 $0x200  }
.LBB2_2:
0x18: {  	p0 =	sne.s32 s8, $0xFE00;
	[tilespmem:s7+$0xC870] =	vst v0  }
0x19: {  	[tilespmem:s7+$0xC800] =	vst v0  }
0x1a: {  	[tilespmem:s7+$0xC810] =	vst v0  }
.Ltmp0:
0x1b: {  	[tilespmem:s7+$0xC820] =	vst v0;
	(pc) =	sbr.rel @p0 .LBB2_2-.Ltmp0, $4  }
0x1c: {  	[tilespmem:s7+$0xC830] =	vst v0  }
0x1d: {  	[tilespmem:s7+$0xC840] =	vst v0  }
0x1e: {  	[tilespmem:s7+$0xC850] =	vst v0  }
0x1f: {  	[tilespmem:s7+$0xC860] =	vst v0;
	s7 =	sshra.s32 s8, $0x2;
	s8 =	sadd.s32 $0x200, s8  }
0x20: {  	[tilespmem:s7+$0xC870] =	vst v0  }
0x21: {  	[tilespmem:s7+$0xC800] =	vst v0  }
0x22: {  	[tilespmem:s7+$0xC810] =	vst v0  }
0x23: {  	[tilespmem:s7+$0xC820] =	vst v0  }
0x24: {  	[tilespmem:s7+$0xC830] =	vst v0  }
0x25: {  	[tilespmem:s7+$0xC840] =	vst v0  }
0x26: {  	[tilespmem:s7+$0xC850] =	vst v0  }
0x27: {  	[tilespmem:s7+$0xC860] =	vst v0;
	s7 =	simm.s32 $0x0;
	s8 =	simm.s32 $0x200  }
.LBB2_4:
0x28: {  	p0 =	sne.s32 s8, $0xFE00;
	[tilespmem:s7+$0x8870] =	vst v1  }
0x29: {  	[tilespmem:s7+$0x8800] =	vst v1  }
0x2a: {  	[tilespmem:s7+$0x8810] =	vst v1  }
.Ltmp1:
0x2b: {  	[tilespmem:s7+$0x8820] =	vst v1;
	(pc) =	sbr.rel @p0 .LBB2_4-.Ltmp1, $4  }
0x2c: {  	[tilespmem:s7+$0x8830] =	vst v1  }
0x2d: {  	[tilespmem:s7+$0x8840] =	vst v1  }
0x2e: {  	[tilespmem:s7+$0x8850] =	vst v1  }
0x2f: {  	[tilespmem:s7+$0x8860] =	vst v1;
	s7 =	sshra.s32 s8, $0x2;
	s8 =	sadd.s32 $0x200, s8  }
0x30: {  	[tilespmem:s7+$0x8870] =	vst v1  }
0x31: {  	[tilespmem:s7+$0x8800] =	vst v1  }
0x32: {  	[tilespmem:s7+$0x8810] =	vst v1  }
0x33: {  	[tilespmem:s7+$0x8820] =	vst v1  }
0x34: {  	[tilespmem:s7+$0x8830] =	vst v1  }
0x35: {  	[tilespmem:s7+$0x8840] =	vst v1  }
0x36: {  	[tilespmem:s7+$0x8850] =	vst v1  }
0x37: {  	[tilespmem:s7+$0x8860] =	vst v1;
	s8 =	rddreg [dreg:$0x5]  }
0x38: {  	[tilespmem:s4], [sflag:$0x3] =	stream.linear.gather [hbm4b:s8+s4], $0x400, $0x38;
	[tilespmem:$0x19000] =	vst v63  }
0x39: {  	_ =	swait.ge [sflag:s15], $0x400  }
0x3a: {  	[sflag:s15] =	ssyncset.done $0x0  }
0x3b: {  	s8 =	rddreg [dreg:$0x6];
	[sflag:s15] =	ssyncadd.s32 $0xFFFFFC00  }
0x3c: {  	[spmem:s8] =	stream.linear.scatter [tilespmem:s16], [sflag:$0x3], $0x4000, $0x38;
	[tilespmem:$0x19000] =	vst v63  }
0x3d: {  	_ =	swait.ge [sflag:s15], $0x4000  }
0x3e: {  	[sflag:s15] =	ssyncset.done $0x0  }
0x3f: {  	s8 =	rddreg [dreg:$0x7];
	[sflag:s15] =	ssyncadd.s32 $0xFFFFC000  }
0x40: {  	[spmem:s8] =	stream.linear.scatter [tilespmem:s16], [sflag:$0x3], $0x400, $0x38;
	[tilespmem:$0x19000] =	vst v63  }
0x41: {  	_ =	swait.ge [sflag:s15], $0x400  }
0x42: {  	[sflag:s15] =	ssyncset.done $0x0  }
0x43: {  	[sflag:s15] =	ssyncadd.s32 $0xFFFFFC00  }
0x44: {  	[spmem:s9] =	stream.linear.scatter [tilespmem:s16], [sflag:$0x3], $0x4000, $0x38;
	[tilespmem:$0x19000] =	vst v63  }
0x45: {  	_ =	swait.ge [sflag:s15], $0x4000  }
0x46: {  	[sflag:s15] =	ssyncset.done $0x0  }
0x47: {  	[sflag:s15] =	ssyncadd.s32 $0xFFFFC000  }
0x48: {  	[spmem:s10] =	stream.linear.scatter [tilespmem:s16], [sflag:$0x3], $0x400, $0x38;
	[tilespmem:$0x19000] =	vst v63  }
0x49: {  	_ =	swait.ge [sflag:s15], $0x400  }
0x4a: {  	[sflag:s15] =	ssyncset.done $0x0  }
0x4b: {  	[sflag:s15] =	ssyncadd.s32 $0xFFFFFC00  }
0x4c: {  	[tilespmem:s17], [sflag:$0x3] =	stream.linear.gather [hbm4b:s11+s4], $0x400, $0x38;
	[tilespmem:$0x19000] =	vst v63  }
0x4d: {  	_ =	swait.ge [sflag:s15], $0x400  }
0x4e: {  	[sflag:s15] =	ssyncset.done $0x0  }
0x4f: {  	[sflag:s15] =	ssyncadd.s32 $0xFFFFFC00  }
0x50: {  	[bflag:$0x0] =	sbarrier.arrive $0xFFFF  }
0x51: {  	[tilespmem:s19], [sflag:$0x1] =	stream.indirect.gather [hbm4b:s5+s18], $0x80, s4, s18, $0xb8;
	[tilespmem:$0x19000] =	vst v63  }
0x52: {  	_ = 	snop  }
0x53: {  	[tilespmem:s20], [sflag:$0x2] =	stream.indirect.gather [hbm4b:s5+s18], $0x80, s18, s18, $0xb8;
	[tilespmem:$0x19000] =	vst v63  }
0x54: {  	_ =	swait.ge [sflag:s21], $0x4000  }
0x55: {  	[sflag:s21] =	ssyncset.done $0x0  }
0x56: {  	[sflag:s21] =	ssyncadd.s32 $0xFFFFC000  }
0x57: {  	[spmem:s1] =	stream.indirect.scatter.add.f32 [tilespmem:s19], [sflag:$0x3], $0x80, s17, s18, $0xb8;
	[tilespmem:$0x19000] =	vst v63  }
0x58: {  	_ =	swait.ge [sflag:s15], $0x4000  }
0x59: {  	[sflag:s15] =	ssyncset.done $0x0  }
0x5a: {  	[sflag:s15] =	ssyncadd.s32 $0xFFFFC000  }
0x5b: {  	[spmem:s2] =	stream.indirect.scatter.add.f32 [tilespmem:s22], [sflag:$0x3], $0x80, s17, s18, $0xb8;
	[tilespmem:$0x19000] =	vst v63  }
0x5c: {  	_ =	swait.ge [sflag:s15], $0x4000  }
0x5d: {  	[sflag:s15] =	ssyncset.done $0x0  }
0x5e: {  	s8 =	simm.s32 $0x100;
	[sflag:s15] =	ssyncadd.s32 $0xFFFFC000  }
0x5f: {  	[tilespmem:s19], [sflag:$0x1] =	stream.indirect.gather [hbm4b:s5+s18], $0x80, s8, s18, $0xb8;
	[tilespmem:$0x19000] =	vst v63  }
0x60: {  	_ =	swait.ge [sflag:s26], $0x4000  }
0x61: {  	[sflag:s26] =	ssyncset.done $0x0  }
0x62: {  	[sflag:s26] =	ssyncadd.s32 $0xFFFFC000  }
0x63: {  	[spmem:s1] =	stream.indirect.scatter.add.f32 [tilespmem:s20], [sflag:$0x3], $0x80, s28, s18, $0xb8;
	[tilespmem:$0x19000] =	vst v63  }
0x64: {  	_ =	swait.ge [sflag:s15], $0x4000  }
0x65: {  	[sflag:s15] =	ssyncset.done $0x0  }
0x66: {  	[sflag:s15] =	ssyncadd.s32 $0xFFFFC000  }
0x67: {  	[spmem:s2] =	stream.indirect.scatter.add.f32 [tilespmem:s22], [sflag:$0x3], $0x80, s28, s18, $0xb8;
	[tilespmem:$0x19000] =	vst v63  }
0x68: {  	_ =	swait.ge [sflag:s15], $0x4000  }
0x69: {  	[sflag:s15] =	ssyncset.done $0x0  }
0x6a: {  	s8 =	simm.s32 $0x180;
	[sflag:s15] =	ssyncadd.s32 $0xFFFFC000  }
0x6b: {  	[tilespmem:s20], [sflag:$0x2] =	stream.indirect.gather [hbm4b:s5+s18], $0x80, s8, s18, $0xb8;
	[tilespmem:$0x19000] =	vst v63  }
0x6c: {  	_ =	swait.ge [sflag:s21], $0x4000  }
0x6d: {  	[sflag:s21] =	ssyncset.done $0x0  }
0x6e: {  	[sflag:s21] =	ssyncadd.s32 $0xFFFFC000  }
0x6f: {  	[spmem:s1] =	stream.indirect.scatter.add.f32 [tilespmem:s19], [sflag:$0x3], $0x80, s30, s18, $0xb8;
	[tilespmem:$0x19000] =	vst v63  }
0x70: {  	_ =	swait.ge [sflag:s15], $0x4000  }
0x71: {  	[sflag:s15] =	ssyncset.done $0x0  }
0x72: {  	[sflag:s15] =	ssyncadd.s32 $0xFFFFC000  }
0x73: {  	[spmem:s2] =	stream.indirect.scatter.add.f32 [tilespmem:s22], [sflag:$0x3], $0x80, s30, s18, $0xb8;
	[tilespmem:$0x19000] =	vst v63  }
0x74: {  	_ =	swait.ge [sflag:s15], $0x4000  }
0x75: {  	[sflag:s15] =	ssyncset.done $0x0  }
0x76: {  	s8 =	simm.s32 $0x200;
	[sflag:s15] =	ssyncadd.s32 $0xFFFFC000  }
0x77: {  	[tilespmem:s19], [sflag:$0x1] =	stream.indirect.gather [hbm4b:s5+s18], $0x80, s8, s18, $0xb8;
	[tilespmem:$0x19000] =	vst v63  }
0x78: {  	_ =	swait.ge [sflag:s26], $0x4000  }
0x79: {  	[sflag:s26] =	ssyncset.done $0x0  }
0x7a: {  	[sflag:s26] =	ssyncadd.s32 $0xFFFFC000  }
0x7b: {  	[spmem:s1] =	stream.indirect.scatter.add.f32 [tilespmem:s20], [sflag:$0x3], $0x80, s0, s18, $0xb8;
	[tilespmem:$0x19000] =	vst v63  }
0x7c: {  	_ =	swait.ge [sflag:s15], $0x4000  }
0x7d: {  	[sflag:s15] =	ssyncset.done $0x0  }
0x7e: {  	[sflag:s15] =	ssyncadd.s32 $0xFFFFC000  }
0x7f: {  	[spmem:s2] =	stream.indirect.scatter.add.f32 [tilespmem:s22], [sflag:$0x3], $0x80, s0, s18, $0xb8;
	[tilespmem:$0x19000] =	vst v63  }
0x80: {  	_ =	swait.ge [sflag:s15], $0x4000  }
0x81: {  	[sflag:s15] =	ssyncset.done $0x0  }
0x82: {  	s8 =	simm.s32 $0x280;
	[sflag:s15] =	ssyncadd.s32 $0xFFFFC000  }
0x83: {  	[tilespmem:s20], [sflag:$0x2] =	stream.indirect.gather [hbm4b:s5+s18], $0x80, s8, s18, $0xb8;
	[tilespmem:$0x19000] =	vst v63  }
0x84: {  	_ =	swait.ge [sflag:s21], $0x4000  }
0x85: {  	[sflag:s21] =	ssyncset.done $0x0  }
0x86: {  	[sflag:s21] =	ssyncadd.s32 $0xFFFFC000  }
0x87: {  	[spmem:s1] =	stream.indirect.scatter.add.f32 [tilespmem:s19], [sflag:$0x3], $0x80, s23, s18, $0xb8;
	[tilespmem:$0x19000] =	vst v63  }
0x88: {  	_ =	swait.ge [sflag:s15], $0x4000  }
0x89: {  	[sflag:s15] =	ssyncset.done $0x0  }
0x8a: {  	[sflag:s15] =	ssyncadd.s32 $0xFFFFC000  }
0x8b: {  	[spmem:s2] =	stream.indirect.scatter.add.f32 [tilespmem:s22], [sflag:$0x3], $0x80, s23, s18, $0xb8;
	[tilespmem:$0x19000] =	vst v63  }
0x8c: {  	_ =	swait.ge [sflag:s15], $0x4000  }
0x8d: {  	[sflag:s15] =	ssyncset.done $0x0  }
0x8e: {  	s8 =	simm.s32 $0x300;
	[sflag:s15] =	ssyncadd.s32 $0xFFFFC000  }
0x8f: {  	[tilespmem:s19], [sflag:$0x1] =	stream.indirect.gather [hbm4b:s5+s18], $0x80, s8, s18, $0xb8;
	[tilespmem:$0x19000] =	vst v63  }
0x90: {  	_ =	swait.ge [sflag:s26], $0x4000  }
0x91: {  	[sflag:s26] =	ssyncset.done $0x0  }
0x92: {  	[sflag:s26] =	ssyncadd.s32 $0xFFFFC000  }
0x93: {  	[spmem:s1] =	stream.indirect.scatter.add.f32 [tilespmem:s20], [sflag:$0x3], $0x80, s31, s18, $0xb8;
	[tilespmem:$0x19000] =	vst v63  }
0x94: {  	_ =	swait.ge [sflag:s15], $0x4000  }
0x95: {  	[sflag:s15] =	ssyncset.done $0x0  }
0x96: {  	[sflag:s15] =	ssyncadd.s32 $0xFFFFC000  }
0x97: {  	[spmem:s2] =	stream.indirect.scatter.add.f32 [tilespmem:s22], [sflag:$0x3], $0x80, s31, s18, $0xb8;
	[tilespmem:$0x19000] =	vst v63  }
0x98: {  	_ =	swait.ge [sflag:s15], $0x4000  }
0x99: {  	[sflag:s15] =	ssyncset.done $0x0  }
0x9a: {  	s8 =	simm.s32 $0x380;
	[sflag:s15] =	ssyncadd.s32 $0xFFFFC000  }
0x9b: {  	[tilespmem:s20], [sflag:$0x2] =	stream.indirect.gather [hbm4b:s5+s18], $0x80, s8, s18, $0xb8;
	[tilespmem:$0x19000] =	vst v63  }
0x9c: {  	_ =	swait.ge [sflag:s21], $0x4000  }
0x9d: {  	[sflag:s21] =	ssyncset.done $0x0  }
0x9e: {  	[sflag:s21] =	ssyncadd.s32 $0xFFFFC000  }
0x9f: {  	[spmem:s1] =	stream.indirect.scatter.add.f32 [tilespmem:s19], [sflag:$0x3], $0x80, s29, s18, $0xb8;
	[tilespmem:$0x19000] =	vst v63  }
0xa0: {  	_ =	swait.ge [sflag:s15], $0x4000  }
0xa1: {  	[sflag:s15] =	ssyncset.done $0x0  }
0xa2: {  	[sflag:s15] =	ssyncadd.s32 $0xFFFFC000  }
0xa3: {  	[spmem:s2] =	stream.indirect.scatter.add.f32 [tilespmem:s22], [sflag:$0x3], $0x80, s29, s18, $0xb8;
	[tilespmem:$0x19000] =	vst v63  }
0xa4: {  	_ =	swait.ge [sflag:s15], $0x4000  }
0xa5: {  	[sflag:s15] =	ssyncset.done $0x0  }
0xa6: {  	[sflag:s15] =	ssyncadd.s32 $0xFFFFC000  }
0xa7: {  	_ =	swait.ge [sflag:s26], $0x4000  }
0xa8: {  	[sflag:s26] =	ssyncset.done $0x0  }
0xa9: {  	[sflag:s26] =	ssyncadd.s32 $0xFFFFC000  }
0xaa: {  	[spmem:s1] =	stream.indirect.scatter.add.f32 [tilespmem:s20], [sflag:$0x3], $0x80, s3, s18, $0xb8;
	[tilespmem:$0x19000] =	vst v63  }
0xab: {  	_ =	swait.ge [sflag:s15], $0x4000  }
0xac: {  	[sflag:s15] =	ssyncset.done $0x0  }
0xad: {  	[sflag:s15] =	ssyncadd.s32 $0xFFFFC000  }
0xae: {  	[spmem:s2] =	stream.indirect.scatter.add.f32 [tilespmem:s22], [sflag:$0x3], $0x80, s3, s18, $0xb8;
	[tilespmem:$0x19000] =	vst v63  }
0xaf: {  	_ =	swait.ge [sflag:s15], $0x4000  }
0xb0: {  	s8 =	stileid.u32;
	[sflag:s15] =	ssyncset.done $0x0  }
0xb1: {  	s7 =	sshll.u32 s8, $0x6;
	[sflag:s15] =	ssyncadd.s32 $0xFFFFC000  }
0xb2: {  	s7 =	sor.u32 $0x1C03, s7;
	[bflag:$0x0] =	sbarrier.arrive $0xFFFF  }
0xb3: {  	[hbm:s12], [sflag:s7] =	dma.local [spmem:s24], $0x800  }
0xb4: {  	s6 =	sadd.s32 $0x1, s6;
	_ =	swait.ge [sflag:s15], $0x800  }
0xb5: {  	p0 =	sne.s32 s6, s14;
	[sflag:s15] =	ssyncset.done $0x0  }
.Ltmp2:
0xb6: {  	[sflag:s15] =	ssyncadd.s32 $0xFFFFF800;
	(pc) =	sbr.rel @p0 .LBB2_1-.Ltmp2, $4  }
0xb7: {  	[hbm:s13], [sflag:s7] =	dma.local [spmem:s25], $0x800  }
0xb8: {  	_ =	swait.ge [sflag:s15], $0x800  }
0xb9: {  	[sflag:s15] =	ssyncset.done $0x0  }
0xba: {  	[sflag:s15] =	ssyncadd.s32 $0xFFFFF800  }
0xbb: {  	_ =	sfence.sel $0x180000  }
0xbc: {  	[bflag:$0x0] =	sbarrier.arrive $0xFFFF  }
0xbd: {  	_ =	strace $0x9000004A  }
0xbe: {  	s0 =	stileid.u32;
	[bflag:$0x2] =	sbarrier.arrive $0xFFFF  }
0xbf: {  	p0 =	sne.s32 s0, $0x0;
	s0 =	rddreg [dreg:$0x4]  }
0xc0: {  	s0 =	sadd.s32 @!p0 $0x100000, s0  }
0xc1: {  	[sflag:s0] =	ssyncadd.tile.s32 @!p0 $0x1;
	_ =	shalt  }
.Lfunc_end2:
_tile_overlayer_lowered:
.L_overlay_start_2:
0xc2: {  	(tag) =	ssettag $0x2  }
0xc3: {  	s0 =	rddreg [dreg:$0x0];
	s2 =	stileid.u32  }
0xc4: {  	s1 =	rddreg [dreg:$0x1];
	p0 =	sne.s32 s2, $0x0  }
0xc5: {  	s3 =	rddreg [dreg:$0x2];
	[bflag:$0x3] =	sbarrier.arrive $0xFFFF;
	s2 =	simm.s32 @!p0 $0x1C03  }
0xc6: {  	[timem:s3], [sflag:s2] =	dma.local @!p0 [hbm:s0], s1  }
0xc7: {  	s0 =	simm.s32 @!p0 $0x3  }
0xc8: {  	_ =	swait.ge @!p0 [sflag:s0], s1  }
0xc9: {  	s1 =	ssub.s32 @!p0 $0x0, s1;
	[sflag:s0] =	ssyncset.done @!p0 $0x0  }
0xca: {  	[sflag:s0] =	ssyncadd.s32 @!p0 s1  }
0xcb: {  	[bflag:$0x3] =	sbarrier.arrive $0xFFFF  }
0xcc: {  	_ =	shalt  }

</sc_bundles>
